<compile_context>
chip_gen: v7x
topology: tpu7x:2x2x1
jax: 0.10.2.dev20260603
libtpu: 0.0.44.dev20260713+nightly
codegen_flags: <defaults>
</compile_context>

<pallas_src>
import jax
import jax.numpy as jnp
from jax import lax
from jax.experimental import pallas as pl
from jax.experimental.pallas import tpu as pltpu
from jax.experimental.pallas import tpu_sc as plsc

_BATCH = 64
_SEQ_LEN = 262144
_MAX_DROP_LENGTH = 2048
_WIN = _MAX_DROP_LENGTH + 16
_NW = 32
_ROWS_PER_W = _BATCH // _NW


def _drop_bounds(batch, seq_len):
    rkey = jax.random.key(42)
    k_start, k_len = jax.random.split(rkey)
    drop_start = jax.random.randint(k_start, (batch,), 0, seq_len // 2)
    drop_len = jax.random.randint(k_len, (batch,), 0, _MAX_DROP_LENGTH)
    drop_end = jnp.minimum(drop_start + drop_len, seq_len)
    return drop_start.astype(jnp.int32), drop_end.astype(jnp.int32)


def _scalar_at(vmem_ref, i):
    base = (i // 16) * 16
    v = vmem_ref[pl.ds(base, 16)]
    lane = lax.broadcasted_iota(jnp.int32, (16,), 0)
    return jnp.max(jnp.where(lane == i % 16, v, 0), axis=0)


def _sc_fix_body(sa_hbm, s_hbm, e_hbm, buf_hbm,
                 sa_v, s_v, e_v, wbuf, sem_in, sem_out):
    wid = lax.axis_index("s") * 2 + lax.axis_index("c")
    row0 = wid * _ROWS_PER_W

    pltpu.sync_copy(sa_hbm, sa_v)
    pltpu.sync_copy(s_hbm, s_v)
    pltpu.sync_copy(e_hbm, e_v)

    sas = [pl.multiple_of(_scalar_at(sa_v, row0 + k), 16)
           for k in range(_ROWS_PER_W)]
    for k in range(_ROWS_PER_W):
        pltpu.async_copy(
            buf_hbm.at[pl.ds(sas[k], _WIN)], wbuf.at[k], sem_in[k])

    for k in range(_ROWS_PER_W):
        r = row0 + k
        s = _scalar_at(s_v, r)
        e = _scalar_at(e_v, r)
        pltpu.make_async_copy(
            buf_hbm.at[pl.ds(sas[k], _WIN)], wbuf.at[k], sem_in[k]).wait()

        def granule(g, _, k=k, s=s, e=e, sa=sas[k]):
            off = pl.multiple_of(g * 16 - sa, 16)
            col = g * 16 + lax.broadcasted_iota(jnp.int32, (16,), 0)
            val = wbuf[k, pl.ds(off, 16)]
            drop = (col >= s) & (col < e)
            wbuf[k, pl.ds(off, 16)] = jnp.where(drop, 0.0, val)
            return 0

        lax.fori_loop(s // 16, (e + 15) // 16, granule, 0)
        pltpu.async_copy(
            wbuf.at[k], buf_hbm.at[pl.ds(sas[k], _WIN)], sem_out[k])

    for k in range(_ROWS_PER_W):
        pltpu.make_async_copy(
            wbuf.at[k], buf_hbm.at[pl.ds(sas[k], _WIN)], sem_out[k]).wait()


def kernel(waveform):
    batch, seq_len = waveform.shape
    s, e = _drop_bounds(batch, seq_len)
    row_base = jnp.arange(batch, dtype=jnp.int32) * seq_len
    sa_flat = row_base + (s // 16) * 16
    s_flat = row_base + s
    e_flat = row_base + e

    mesh = plsc.VectorSubcoreMesh(core_axis_name="c", subcore_axis_name="s")
    run = pl.kernel(
        _sc_fix_body,
        mesh=mesh,
        compiler_params=pltpu.CompilerParams(use_tc_tiling_on_sc=False,
                                             needs_layout_passes=False),
        scratch_types=[
            pltpu.VMEM((_BATCH,), jnp.int32),
            pltpu.VMEM((_BATCH,), jnp.int32),
            pltpu.VMEM((_BATCH,), jnp.int32),
            pltpu.VMEM((_ROWS_PER_W, _WIN), jnp.float32),
            [pltpu.SemaphoreType.DMA] * _ROWS_PER_W,
            [pltpu.SemaphoreType.DMA] * _ROWS_PER_W,
        ],
    )
    buf = jax.new_ref(waveform.reshape(-1))
    run(sa_flat, s_flat, e_flat, buf)
    return jax.freeze(buf).reshape(batch, seq_len)

# --- scband reference (transcript-rebuilt; emitter-appended) ---
"""Pipeline reference for scband-drop-region-5540507812048 (READ-ONLY COPY).

The authoritative reference and input builder live on the scoring server;
editing this copy changes nothing except your own understanding.
"""

import jax, jax.numpy as jnp
import numpy as np

BATCH = 64
SEQ_LEN = 262144
MAX_DROP_LENGTH = 2048


def setup_inputs(seed: int = 0) -> dict:
    key = jax.random.key(seed)
    waveform = jax.random.normal(key, (BATCH, SEQ_LEN), dtype=jnp.float32)
    return {"waveform": waveform}


def reference(waveform):
    # Faithful (deterministic-RNG) translation of DropRegion.forward:
    # per-row random drop_start in [0, seq_len//2), random drop_len in
    # [0, max_drop_length), zero the slice [drop_start, drop_end).
    batch, seq_len = waveform.shape
    rkey = jax.random.key(42)
    k_start, k_len = jax.random.split(rkey)
    drop_start = jax.random.randint(k_start, (batch,), 0, seq_len // 2)
    drop_len = jax.random.randint(k_len, (batch,), 0, MAX_DROP_LENGTH)
    drop_end = jnp.minimum(drop_start + drop_len, seq_len)
    idx = jnp.arange(seq_len)
    # mask[i, t] = True where the region is dropped (scatter-overwrite with 0)
    mask = (idx[None, :] >= drop_start[:, None]) & (idx[None, :] < drop_end[:, None])
    dropped_waveform = jnp.where(mask, jnp.zeros((), dtype=waveform.dtype), waveform)
    return dropped_waveform

if __name__ == "__main__":
    import jax
    _d = setup_inputs()
    print(jax.jit(kernel)(*tuple(_d.values())))

</pallas_src>

<mosaic_0001>
#map = affine_map<(d0, d1) -> (0)>
module attributes {stable_mosaic.version = 14 : i64} {
  func.func @new_body(%arg0: i32, %arg1: i32, %arg2: memref<64xi32, #tpu.memory_space<hbm>>, %arg3: memref<64xi32, #tpu.memory_space<hbm>>, %arg4: memref<64xi32, #tpu.memory_space<hbm>>, %arg5: memref<16777216xf32, #tpu.memory_space<hbm>>, %arg6: memref<16777216xf32, #tpu.memory_space<hbm>>, %arg7: memref<64xi32, #tpu.memory_space<vmem>>, %arg8: memref<64xi32, #tpu.memory_space<vmem>>, %arg9: memref<64xi32, #tpu.memory_space<vmem>>, %arg10: memref<2x2064xf32, #tpu.memory_space<vmem>>, %arg11: memref<!tpu.dma_semaphore, #tpu.memory_space<semaphore_mem>>, %arg12: memref<!tpu.dma_semaphore, #tpu.memory_space<semaphore_mem>>, %arg13: memref<!tpu.dma_semaphore, #tpu.memory_space<semaphore_mem>>, %arg14: memref<!tpu.dma_semaphore, #tpu.memory_space<semaphore_mem>>) attributes {dimension_semantics = [#tpu.dimension_semantics<core_parallel>, #tpu.dimension_semantics<subcore_parallel>], iteration_bounds = array<i64: 2, 16>, scalar_prefetch = 0 : i64, scratch_operands = 8 : i64, tpu.core_type = #tpu.core_type<sc_vector_subcore>, window_params = [{transform_indices = #map}, {transform_indices = #map}, {transform_indices = #map}, {transform_indices = #map}, {transform_indices = #map}]} {
    %mul3A = arith.constant 2 : i32
    %mul3A_0 = arith.muli %arg1, %mul3A : i32
    %add3A = arith.addi %mul3A_0, %arg0 : i32
    %mul3A_1 = arith.constant 2 : i32
    %mul3A_2 = arith.muli %add3A, %mul3A_1 : i32
    "tpu.region"() ({
      %run_scoped3A = tpu.sem_alloc : memref<!tpu.dma_semaphore, #tpu.memory_space<semaphore_mem>>
      tpu.enqueue_dma source(%arg2 : memref<64xi32, #tpu.memory_space<hbm>>) target(%arg7 : memref<64xi32, #tpu.memory_space<vmem>>) target_semaphore(%run_scoped3A : memref<!tpu.dma_semaphore, #tpu.memory_space<semaphore_mem>>)
      tpu.wait_dma2 semaphore(%run_scoped3A : memref<!tpu.dma_semaphore, #tpu.memory_space<semaphore_mem>>) src(%arg2 : memref<64xi32, #tpu.memory_space<hbm>>) dst(%arg7 : memref<64xi32, #tpu.memory_space<vmem>>)
      tpu.yield
    }) : () -> ()
    "tpu.region"() ({
      %run_scoped3A = tpu.sem_alloc : memref<!tpu.dma_semaphore, #tpu.memory_space<semaphore_mem>>
      tpu.enqueue_dma source(%arg3 : memref<64xi32, #tpu.memory_space<hbm>>) target(%arg8 : memref<64xi32, #tpu.memory_space<vmem>>) target_semaphore(%run_scoped3A : memref<!tpu.dma_semaphore, #tpu.memory_space<semaphore_mem>>)
      tpu.wait_dma2 semaphore(%run_scoped3A : memref<!tpu.dma_semaphore, #tpu.memory_space<semaphore_mem>>) src(%arg3 : memref<64xi32, #tpu.memory_space<hbm>>) dst(%arg8 : memref<64xi32, #tpu.memory_space<vmem>>)
      tpu.yield
    }) : () -> ()
    "tpu.region"() ({
      %run_scoped3A = tpu.sem_alloc : memref<!tpu.dma_semaphore, #tpu.memory_space<semaphore_mem>>
      tpu.enqueue_dma source(%arg4 : memref<64xi32, #tpu.memory_space<hbm>>) target(%arg9 : memref<64xi32, #tpu.memory_space<vmem>>) target_semaphore(%run_scoped3A : memref<!tpu.dma_semaphore, #tpu.memory_space<semaphore_mem>>)
      tpu.wait_dma2 semaphore(%run_scoped3A : memref<!tpu.dma_semaphore, #tpu.memory_space<semaphore_mem>>) src(%arg4 : memref<64xi32, #tpu.memory_space<hbm>>) dst(%arg9 : memref<64xi32, #tpu.memory_space<vmem>>)
      tpu.yield
    }) : () -> ()
    %add3A_3 = arith.constant 0 : i32
    %add3A_4 = arith.addi %mul3A_2, %add3A_3 : i32
    %jit3A = arith.constant 16 : i32
    %div3A = arith.divsi %add3A_4, %jit3A : i32
    %sign3A = arith.constant 0 : i32
    %sign3A_5 = arith.cmpi sgt, %add3A_4, %sign3A : i32
    %sign3A_6 = arith.extui %sign3A_5 : i1 to i32
    %sign3A_7 = arith.constant 0 : i32
    %sign3A_8 = arith.cmpi slt, %add3A_4, %sign3A_7 : i32
    %sign3A_9 = arith.extui %sign3A_8 : i1 to i32
    %sign3A_10 = arith.subi %sign3A_6, %sign3A_9 : i32
    %sign3A_11 = arith.constant 0 : i32
    %sign3A_12 = arith.cmpi sgt, %jit3A, %sign3A_11 : i32
    %sign3A_13 = arith.extui %sign3A_12 : i1 to i32
    %sign3A_14 = arith.constant 0 : i32
    %sign3A_15 = arith.cmpi slt, %jit3A, %sign3A_14 : i32
    %sign3A_16 = arith.extui %sign3A_15 : i1 to i32
    %sign3A_17 = arith.subi %sign3A_13, %sign3A_16 : i32
    %ne3A = arith.cmpi ne, %sign3A_10, %sign3A_17 : i32
    %rem3A = arith.remsi %add3A_4, %jit3A : i32
    %ne3A_18 = arith.constant 0 : i32
    %ne3A_19 = arith.cmpi ne, %rem3A, %ne3A_18 : i32
    %and3A = arith.andi %ne3A, %ne3A_19 : i1
    %sub3A = arith.constant 1 : i32
    %sub3A_20 = arith.subi %div3A, %sub3A : i32
    %select_n3A = arith.select %and3A, %sub3A_20, %div3A : i32
    %mul3A_21 = arith.constant 16 : i32
    %mul3A_22 = arith.muli %select_n3A, %mul3A_21 : i32
    %get3A = arith.index_cast %mul3A_22 : i32 to index
    %get3A_23 = tpu.vector_load %arg7[%get3A] {strides = array<i32>} : memref<64xi32, #tpu.memory_space<vmem>>, vector<16xi32>,
    %iota3A = tpu.iota {dimensions = array<i32: 0>} : vector<16xi32>
    %jit3A_24 = arith.constant 16 : i32
    %eq3A = arith.constant 0 : i32
    %eq3A_25 = arith.cmpi eq, %jit3A_24, %eq3A : i32
    %jit3A_26 = arith.constant 1 : i32
    %select_n3A_27 = arith.select %eq3A_25, %jit3A_26, %jit3A_24 : i32
    %rem3A_28 = arith.remsi %add3A_4, %select_n3A_27 : i32
    %ne3A_29 = arith.constant 0 : i32
    %ne3A_30 = arith.cmpi ne, %rem3A_28, %ne3A_29 : i32
    %lt3A = arith.constant 0 : i32
    %lt3A_31 = arith.cmpi slt, %rem3A_28, %lt3A : i32
    %lt3A_32 = arith.constant 0 : i32
    %lt3A_33 = arith.cmpi slt, %select_n3A_27, %lt3A_32 : i32
    %ne3A_34 = arith.xori %lt3A_31, %lt3A_33 : i1
    %and3A_35 = arith.andi %ne3A_34, %ne3A_30 : i1
    %add3A_36 = arith.addi %rem3A_28, %select_n3A_27 : i32
    %select_n3A_37 = arith.select %and3A_35, %add3A_36, %rem3A_28 : i32
    %eq3A_38 = vector.broadcast %select_n3A_37 : i32 to vector<16xi32>
    %eq3A_39 = arith.cmpi eq, %iota3A, %eq3A_38 : vector<16xi32>
    %jit3A_40 = arith.constant 0 : i32
    %broadcast_in_dim3A = vector.broadcast %jit3A_40 : i32 to vector<16xi32>
    %select_n3A_41 = arith.select %eq3A_39, %get3A_23, %broadcast_in_dim3A : vector<16xi1>, vector<16xi32>
    %reduce_max3A = arith.constant true
    %reduce_max3A_42 = vector.broadcast %reduce_max3A : i1 to vector<16xi1>
    %reduce_max3A_43 = arith.constant -2147483648 : i32
    %reduce_max3A_44 = vector.broadcast %reduce_max3A_43 : i32 to vector<16xi32>
    %reduce_max3A_45 = arith.xori %select_n3A_41, %reduce_max3A_44 : vector<16xi32>
    %reduce_max3A_46 = tpu.scan <max>, %reduce_max3A_45 masked %reduce_max3A_42 : vector<16xi32>, vector<16xi1> -> vector<16xi32>
    %reduce_max3A_47 = arith.xori %reduce_max3A_46, %reduce_max3A_44 : vector<16xi32>
    %reduce_max3A_48 = vector.extract %reduce_max3A_47[15] : i32 from vector<16xi32>
    %multiple_of3A = tpu.assume_multiple %reduce_max3A_48, 16 : i32
    %add3A_49 = arith.constant 1 : i32
    %add3A_50 = arith.addi %mul3A_2, %add3A_49 : i32
    %jit3A_51 = arith.constant 16 : i32
    %div3A_52 = arith.divsi %add3A_50, %jit3A_51 : i32
    %sign3A_53 = arith.constant 0 : i32
    %sign3A_54 = arith.cmpi sgt, %add3A_50, %sign3A_53 : i32
    %sign3A_55 = arith.extui %sign3A_54 : i1 to i32
    %sign3A_56 = arith.constant 0 : i32
    %sign3A_57 = arith.cmpi slt, %add3A_50, %sign3A_56 : i32
    %sign3A_58 = arith.extui %sign3A_57 : i1 to i32
    %sign3A_59 = arith.subi %sign3A_55, %sign3A_58 : i32
    %sign3A_60 = arith.constant 0 : i32
    %sign3A_61 = arith.cmpi sgt, %jit3A_51, %sign3A_60 : i32
    %sign3A_62 = arith.extui %sign3A_61 : i1 to i32
    %sign3A_63 = arith.constant 0 : i32
    %sign3A_64 = arith.cmpi slt, %jit3A_51, %sign3A_63 : i32
    %sign3A_65 = arith.extui %sign3A_64 : i1 to i32
    %sign3A_66 = arith.subi %sign3A_62, %sign3A_65 : i32
    %ne3A_67 = arith.cmpi ne, %sign3A_59, %sign3A_66 : i32
    %rem3A_68 = arith.remsi %add3A_50, %jit3A_51 : i32
    %ne3A_69 = arith.constant 0 : i32
    %ne3A_70 = arith.cmpi ne, %rem3A_68, %ne3A_69 : i32
    %and3A_71 = arith.andi %ne3A_67, %ne3A_70 : i1
    %sub3A_72 = arith.constant 1 : i32
    %sub3A_73 = arith.subi %div3A_52, %sub3A_72 : i32
    %select_n3A_74 = arith.select %and3A_71, %sub3A_73, %div3A_52 : i32
    %mul3A_75 = arith.constant 16 : i32
    %mul3A_76 = arith.muli %select_n3A_74, %mul3A_75 : i32
    %get3A_77 = arith.index_cast %mul3A_76 : i32 to index
    %get3A_78 = tpu.vector_load %arg7[%get3A_77] {strides = array<i32>} : memref<64xi32, #tpu.memory_space<vmem>>, vector<16xi32>,
    %iota3A_79 = tpu.iota {dimensions = array<i32: 0>} : vector<16xi32>
    %jit3A_80 = arith.constant 16 : i32
    %eq3A_81 = arith.constant 0 : i32
    %eq3A_82 = arith.cmpi eq, %jit3A_80, %eq3A_81 : i32
    %jit3A_83 = arith.constant 1 : i32
    %select_n3A_84 = arith.select %eq3A_82, %jit3A_83, %jit3A_80 : i32
    %rem3A_85 = arith.remsi %add3A_50, %select_n3A_84 : i32
    %ne3A_86 = arith.constant 0 : i32
    %ne3A_87 = arith.cmpi ne, %rem3A_85, %ne3A_86 : i32
    %lt3A_88 = arith.constant 0 : i32
    %lt3A_89 = arith.cmpi slt, %rem3A_85, %lt3A_88 : i32
    %lt3A_90 = arith.constant 0 : i32
    %lt3A_91 = arith.cmpi slt, %select_n3A_84, %lt3A_90 : i32
    %ne3A_92 = arith.xori %lt3A_89, %lt3A_91 : i1
    %and3A_93 = arith.andi %ne3A_92, %ne3A_87 : i1
    %add3A_94 = arith.addi %rem3A_85, %select_n3A_84 : i32
    %select_n3A_95 = arith.select %and3A_93, %add3A_94, %rem3A_85 : i32
    %eq3A_96 = vector.broadcast %select_n3A_95 : i32 to vector<16xi32>
    %eq3A_97 = arith.cmpi eq, %iota3A_79, %eq3A_96 : vector<16xi32>
    %jit3A_98 = arith.constant 0 : i32
    %broadcast_in_dim3A_99 = vector.broadcast %jit3A_98 : i32 to vector<16xi32>
    %select_n3A_100 = arith.select %eq3A_97, %get3A_78, %broadcast_in_dim3A_99 : vector<16xi1>, vector<16xi32>
    %reduce_max3A_101 = arith.constant true
    %reduce_max3A_102 = vector.broadcast %reduce_max3A_101 : i1 to vector<16xi1>
    %reduce_max3A_103 = arith.constant -2147483648 : i32
    %reduce_max3A_104 = vector.broadcast %reduce_max3A_103 : i32 to vector<16xi32>
    %reduce_max3A_105 = arith.xori %select_n3A_100, %reduce_max3A_104 : vector<16xi32>
    %reduce_max3A_106 = tpu.scan <max>, %reduce_max3A_105 masked %reduce_max3A_102 : vector<16xi32>, vector<16xi1> -> vector<16xi32>
    %reduce_max3A_107 = arith.xori %reduce_max3A_106, %reduce_max3A_104 : vector<16xi32>
    %reduce_max3A_108 = vector.extract %reduce_max3A_107[15] : i32 from vector<16xi32>
    %multiple_of3A_109 = tpu.assume_multiple %reduce_max3A_108, 16 : i32
    %dma_start3A = arith.constant 0 : i32
    %dma_start3A_110 = arith.constant 0 : i32
    %dma_start3A_111 = tpu.memref_slice %arg10[%dma_start3A, %dma_start3A_110] : memref<2x2064xf32, #tpu.memory_space<vmem>> -> memref<1x2064xf32, #tpu.memory_space<vmem>>
    %dma_start3A_112 = tpu.memref_squeeze %dma_start3A_111 : memref<1x2064xf32, #tpu.memory_space<vmem>> -> memref<2064xf32, #tpu.memory_space<vmem>>
    %dma_start3A_113 = tpu.memref_slice %arg5[%multiple_of3A] : memref<16777216xf32, #tpu.memory_space<hbm>> -> memref<2064xf32, #tpu.memory_space<hbm>>
    %dma_start3A_114 = arith.constant 0 : i32
    %dma_start3A_115 = tpu.memref_slice %arg10[%dma_start3A, %dma_start3A_114] : memref<2x2064xf32, #tpu.memory_space<vmem>> -> memref<1x2064xf32, #tpu.memory_space<vmem>>
    %dma_start3A_116 = tpu.memref_squeeze %dma_start3A_115 : memref<1x2064xf32, #tpu.memory_space<vmem>> -> memref<2064xf32, #tpu.memory_space<vmem>>
    %dma_start3A_117 = tpu.memref_slice %arg5[%multiple_of3A] : memref<16777216xf32, #tpu.memory_space<hbm>> -> memref<2064xf32, #tpu.memory_space<hbm>>
    tpu.enqueue_dma source(%dma_start3A_117 : memref<2064xf32, #tpu.memory_space<hbm>>) target(%dma_start3A_116 : memref<2064xf32, #tpu.memory_space<vmem>>) target_semaphore(%arg11 : memref<!tpu.dma_semaphore, #tpu.memory_space<semaphore_mem>>)
    %dma_start3A_118 = arith.constant 1 : i32
    %dma_start3A_119 = arith.constant 0 : i32
    %dma_start3A_120 = tpu.memref_slice %arg10[%dma_start3A_118, %dma_start3A_119] : memref<2x2064xf32, #tpu.memory_space<vmem>> -> memref<1x2064xf32, #tpu.memory_space<vmem>>
    %dma_start3A_121 = tpu.memref_squeeze %dma_start3A_120 : memref<1x2064xf32, #tpu.memory_space<vmem>> -> memref<2064xf32, #tpu.memory_space<vmem>>
    %dma_start3A_122 = tpu.memref_slice %arg5[%multiple_of3A_109] : memref<16777216xf32, #tpu.memory_space<hbm>> -> memref<2064xf32, #tpu.memory_space<hbm>>
    %dma_start3A_123 = arith.constant 0 : i32
    %dma_start3A_124 = tpu.memref_slice %arg10[%dma_start3A_118, %dma_start3A_123] : memref<2x2064xf32, #tpu.memory_space<vmem>> -> memref<1x2064xf32, #tpu.memory_space<vmem>>
    %dma_start3A_125 = tpu.memref_squeeze %dma_start3A_124 : memref<1x2064xf32, #tpu.memory_space<vmem>> -> memref<2064xf32, #tpu.memory_space<vmem>>
    %dma_start3A_126 = tpu.memref_slice %arg5[%multiple_of3A_109] : memref<16777216xf32, #tpu.memory_space<hbm>> -> memref<2064xf32, #tpu.memory_space<hbm>>
    tpu.enqueue_dma source(%dma_start3A_126 : memref<2064xf32, #tpu.memory_space<hbm>>) target(%dma_start3A_125 : memref<2064xf32, #tpu.memory_space<vmem>>) target_semaphore(%arg12 : memref<!tpu.dma_semaphore, #tpu.memory_space<semaphore_mem>>)
    %add3A_127 = arith.constant 0 : i32
    %add3A_128 = arith.addi %mul3A_2, %add3A_127 : i32
    %jit3A_129 = arith.constant 16 : i32
    %div3A_130 = arith.divsi %add3A_128, %jit3A_129 : i32
    %sign3A_131 = arith.constant 0 : i32
    %sign3A_132 = arith.cmpi sgt, %add3A_128, %sign3A_131 : i32
    %sign3A_133 = arith.extui %sign3A_132 : i1 to i32
    %sign3A_134 = arith.constant 0 : i32
    %sign3A_135 = arith.cmpi slt, %add3A_128, %sign3A_134 : i32
    %sign3A_136 = arith.extui %sign3A_135 : i1 to i32
    %sign3A_137 = arith.subi %sign3A_133, %sign3A_136 : i32
    %sign3A_138 = arith.constant 0 : i32
    %sign3A_139 = arith.cmpi sgt, %jit3A_129, %sign3A_138 : i32
    %sign3A_140 = arith.extui %sign3A_139 : i1 to i32
    %sign3A_141 = arith.constant 0 : i32
    %sign3A_142 = arith.cmpi slt, %jit3A_129, %sign3A_141 : i32
    %sign3A_143 = arith.extui %sign3A_142 : i1 to i32
    %sign3A_144 = arith.subi %sign3A_140, %sign3A_143 : i32
    %ne3A_145 = arith.cmpi ne, %sign3A_137, %sign3A_144 : i32
    %rem3A_146 = arith.remsi %add3A_128, %jit3A_129 : i32
    %ne3A_147 = arith.constant 0 : i32
    %ne3A_148 = arith.cmpi ne, %rem3A_146, %ne3A_147 : i32
    %and3A_149 = arith.andi %ne3A_145, %ne3A_148 : i1
    %sub3A_150 = arith.constant 1 : i32
    %sub3A_151 = arith.subi %div3A_130, %sub3A_150 : i32
    %select_n3A_152 = arith.select %and3A_149, %sub3A_151, %div3A_130 : i32
    %mul3A_153 = arith.constant 16 : i32
    %mul3A_154 = arith.muli %select_n3A_152, %mul3A_153 : i32
    %get3A_155 = arith.index_cast %mul3A_154 : i32 to index
    %get3A_156 = tpu.vector_load %arg8[%get3A_155] {strides = array<i32>} : memref<64xi32, #tpu.memory_space<vmem>>, vector<16xi32>,
    %iota3A_157 = tpu.iota {dimensions = array<i32: 0>} : vector<16xi32>
    %jit3A_158 = arith.constant 16 : i32
    %eq3A_159 = arith.constant 0 : i32
    %eq3A_160 = arith.cmpi eq, %jit3A_158, %eq3A_159 : i32
    %jit3A_161 = arith.constant 1 : i32
    %select_n3A_162 = arith.select %eq3A_160, %jit3A_161, %jit3A_158 : i32
    %rem3A_163 = arith.remsi %add3A_128, %select_n3A_162 : i32
    %ne3A_164 = arith.constant 0 : i32
    %ne3A_165 = arith.cmpi ne, %rem3A_163, %ne3A_164 : i32
    %lt3A_166 = arith.constant 0 : i32
    %lt3A_167 = arith.cmpi slt, %rem3A_163, %lt3A_166 : i32
    %lt3A_168 = arith.constant 0 : i32
    %lt3A_169 = arith.cmpi slt, %select_n3A_162, %lt3A_168 : i32
    %ne3A_170 = arith.xori %lt3A_167, %lt3A_169 : i1
    %and3A_171 = arith.andi %ne3A_170, %ne3A_165 : i1
    %add3A_172 = arith.addi %rem3A_163, %select_n3A_162 : i32
    %select_n3A_173 = arith.select %and3A_171, %add3A_172, %rem3A_163 : i32
    %eq3A_174 = vector.broadcast %select_n3A_173 : i32 to vector<16xi32>
    %eq3A_175 = arith.cmpi eq, %iota3A_157, %eq3A_174 : vector<16xi32>
    %jit3A_176 = arith.constant 0 : i32
    %broadcast_in_dim3A_177 = vector.broadcast %jit3A_176 : i32 to vector<16xi32>
    %select_n3A_178 = arith.select %eq3A_175, %get3A_156, %broadcast_in_dim3A_177 : vector<16xi1>, vector<16xi32>
    %reduce_max3A_179 = arith.constant true
    %reduce_max3A_180 = vector.broadcast %reduce_max3A_179 : i1 to vector<16xi1>
    %reduce_max3A_181 = arith.constant -2147483648 : i32
    %reduce_max3A_182 = vector.broadcast %reduce_max3A_181 : i32 to vector<16xi32>
    %reduce_max3A_183 = arith.xori %select_n3A_178, %reduce_max3A_182 : vector<16xi32>
    %reduce_max3A_184 = tpu.scan <max>, %reduce_max3A_183 masked %reduce_max3A_180 : vector<16xi32>, vector<16xi1> -> vector<16xi32>
    %reduce_max3A_185 = arith.xori %reduce_max3A_184, %reduce_max3A_182 : vector<16xi32>
    %reduce_max3A_186 = vector.extract %reduce_max3A_185[15] : i32 from vector<16xi32>
    %jit3A_187 = arith.constant 16 : i32
    %div3A_188 = arith.divsi %add3A_128, %jit3A_187 : i32
    %sign3A_189 = arith.constant 0 : i32
    %sign3A_190 = arith.cmpi sgt, %add3A_128, %sign3A_189 : i32
    %sign3A_191 = arith.extui %sign3A_190 : i1 to i32
    %sign3A_192 = arith.constant 0 : i32
    %sign3A_193 = arith.cmpi slt, %add3A_128, %sign3A_192 : i32
    %sign3A_194 = arith.extui %sign3A_193 : i1 to i32
    %sign3A_195 = arith.subi %sign3A_191, %sign3A_194 : i32
    %sign3A_196 = arith.constant 0 : i32
    %sign3A_197 = arith.cmpi sgt, %jit3A_187, %sign3A_196 : i32
    %sign3A_198 = arith.extui %sign3A_197 : i1 to i32
    %sign3A_199 = arith.constant 0 : i32
    %sign3A_200 = arith.cmpi slt, %jit3A_187, %sign3A_199 : i32
    %sign3A_201 = arith.extui %sign3A_200 : i1 to i32
    %sign3A_202 = arith.subi %sign3A_198, %sign3A_201 : i32
    %ne3A_203 = arith.cmpi ne, %sign3A_195, %sign3A_202 : i32
    %rem3A_204 = arith.remsi %add3A_128, %jit3A_187 : i32
    %ne3A_205 = arith.constant 0 : i32
    %ne3A_206 = arith.cmpi ne, %rem3A_204, %ne3A_205 : i32
    %and3A_207 = arith.andi %ne3A_203, %ne3A_206 : i1
    %sub3A_208 = arith.constant 1 : i32
    %sub3A_209 = arith.subi %div3A_188, %sub3A_208 : i32
    %select_n3A_210 = arith.select %and3A_207, %sub3A_209, %div3A_188 : i32
    %mul3A_211 = arith.constant 16 : i32
    %mul3A_212 = arith.muli %select_n3A_210, %mul3A_211 : i32
    %get3A_213 = arith.index_cast %mul3A_212 : i32 to index
    %get3A_214 = tpu.vector_load %arg9[%get3A_213] {strides = array<i32>} : memref<64xi32, #tpu.memory_space<vmem>>, vector<16xi32>,
    %iota3A_215 = tpu.iota {dimensions = array<i32: 0>} : vector<16xi32>
    %jit3A_216 = arith.constant 16 : i32
    %eq3A_217 = arith.constant 0 : i32
    %eq3A_218 = arith.cmpi eq, %jit3A_216, %eq3A_217 : i32
    %jit3A_219 = arith.constant 1 : i32
    %select_n3A_220 = arith.select %eq3A_218, %jit3A_219, %jit3A_216 : i32
    %rem3A_221 = arith.remsi %add3A_128, %select_n3A_220 : i32
    %ne3A_222 = arith.constant 0 : i32
    %ne3A_223 = arith.cmpi ne, %rem3A_221, %ne3A_222 : i32
    %lt3A_224 = arith.constant 0 : i32
    %lt3A_225 = arith.cmpi slt, %rem3A_221, %lt3A_224 : i32
    %lt3A_226 = arith.constant 0 : i32
    %lt3A_227 = arith.cmpi slt, %select_n3A_220, %lt3A_226 : i32
    %ne3A_228 = arith.xori %lt3A_225, %lt3A_227 : i1
    %and3A_229 = arith.andi %ne3A_228, %ne3A_223 : i1
    %add3A_230 = arith.addi %rem3A_221, %select_n3A_220 : i32
    %select_n3A_231 = arith.select %and3A_229, %add3A_230, %rem3A_221 : i32
    %eq3A_232 = vector.broadcast %select_n3A_231 : i32 to vector<16xi32>
    %eq3A_233 = arith.cmpi eq, %iota3A_215, %eq3A_232 : vector<16xi32>
    %jit3A_234 = arith.constant 0 : i32
    %broadcast_in_dim3A_235 = vector.broadcast %jit3A_234 : i32 to vector<16xi32>
    %select_n3A_236 = arith.select %eq3A_233, %get3A_214, %broadcast_in_dim3A_235 : vector<16xi1>, vector<16xi32>
    %reduce_max3A_237 = arith.constant true
    %reduce_max3A_238 = vector.broadcast %reduce_max3A_237 : i1 to vector<16xi1>
    %reduce_max3A_239 = arith.constant -2147483648 : i32
    %reduce_max3A_240 = vector.broadcast %reduce_max3A_239 : i32 to vector<16xi32>
    %reduce_max3A_241 = arith.xori %select_n3A_236, %reduce_max3A_240 : vector<16xi32>
    %reduce_max3A_242 = tpu.scan <max>, %reduce_max3A_241 masked %reduce_max3A_238 : vector<16xi32>, vector<16xi1> -> vector<16xi32>
    %reduce_max3A_243 = arith.xori %reduce_max3A_242, %reduce_max3A_240 : vector<16xi32>
    %reduce_max3A_244 = vector.extract %reduce_max3A_243[15] : i32 from vector<16xi32>
    %dma_wait3A = arith.constant 0 : i32
    %dma_wait3A_245 = arith.constant 0 : i32
    %dma_wait3A_246 = tpu.memref_slice %arg10[%dma_wait3A, %dma_wait3A_245] : memref<2x2064xf32, #tpu.memory_space<vmem>> -> memref<1x2064xf32, #tpu.memory_space<vmem>>
    %dma_wait3A_247 = tpu.memref_squeeze %dma_wait3A_246 : memref<1x2064xf32, #tpu.memory_space<vmem>> -> memref<2064xf32, #tpu.memory_space<vmem>>
    %dma_wait3A_248 = tpu.memref_slice %arg5[%multiple_of3A] : memref<16777216xf32, #tpu.memory_space<hbm>> -> memref<2064xf32, #tpu.memory_space<hbm>>
    %dma_wait3A_249 = arith.constant 0 : i32
    %dma_wait3A_250 = tpu.memref_slice %arg10[%dma_wait3A, %dma_wait3A_249] : memref<2x2064xf32, #tpu.memory_space<vmem>> -> memref<1x2064xf32, #tpu.memory_space<vmem>>
    %dma_wait3A_251 = tpu.memref_squeeze %dma_wait3A_250 : memref<1x2064xf32, #tpu.memory_space<vmem>> -> memref<2064xf32, #tpu.memory_space<vmem>>
    %dma_wait3A_252 = tpu.memref_slice %arg5[%multiple_of3A] : memref<16777216xf32, #tpu.memory_space<hbm>> -> memref<2064xf32, #tpu.memory_space<hbm>>
    tpu.wait_dma2 semaphore(%arg11 : memref<!tpu.dma_semaphore, #tpu.memory_space<semaphore_mem>>) src(%dma_wait3A_252 : memref<2064xf32, #tpu.memory_space<hbm>>) dst(%dma_wait3A_251 : memref<2064xf32, #tpu.memory_space<vmem>>)
    %jit3A_253 = arith.constant 16 : i32
    %div3A_254 = arith.divsi %reduce_max3A_186, %jit3A_253 : i32
    %sign3A_255 = arith.constant 0 : i32
    %sign3A_256 = arith.cmpi sgt, %reduce_max3A_186, %sign3A_255 : i32
    %sign3A_257 = arith.extui %sign3A_256 : i1 to i32
    %sign3A_258 = arith.constant 0 : i32
    %sign3A_259 = arith.cmpi slt, %reduce_max3A_186, %sign3A_258 : i32
    %sign3A_260 = arith.extui %sign3A_259 : i1 to i32
    %sign3A_261 = arith.subi %sign3A_257, %sign3A_260 : i32
    %sign3A_262 = arith.constant 0 : i32
    %sign3A_263 = arith.cmpi sgt, %jit3A_253, %sign3A_262 : i32
    %sign3A_264 = arith.extui %sign3A_263 : i1 to i32
    %sign3A_265 = arith.constant 0 : i32
    %sign3A_266 = arith.cmpi slt, %jit3A_253, %sign3A_265 : i32
    %sign3A_267 = arith.extui %sign3A_266 : i1 to i32
    %sign3A_268 = arith.subi %sign3A_264, %sign3A_267 : i32
    %ne3A_269 = arith.cmpi ne, %sign3A_261, %sign3A_268 : i32
    %rem3A_270 = arith.remsi %reduce_max3A_186, %jit3A_253 : i32
    %ne3A_271 = arith.constant 0 : i32
    %ne3A_272 = arith.cmpi ne, %rem3A_270, %ne3A_271 : i32
    %and3A_273 = arith.andi %ne3A_269, %ne3A_272 : i1
    %sub3A_274 = arith.constant 1 : i32
    %sub3A_275 = arith.subi %div3A_254, %sub3A_274 : i32
    %select_n3A_276 = arith.select %and3A_273, %sub3A_275, %div3A_254 : i32
    %add3A_277 = arith.constant 15 : i32
    %add3A_278 = arith.addi %reduce_max3A_244, %add3A_277 : i32
    %jit3A_279 = arith.constant 16 : i32
    %div3A_280 = arith.divsi %add3A_278, %jit3A_279 : i32
    %sign3A_281 = arith.constant 0 : i32
    %sign3A_282 = arith.cmpi sgt, %add3A_278, %sign3A_281 : i32
    %sign3A_283 = arith.extui %sign3A_282 : i1 to i32
    %sign3A_284 = arith.constant 0 : i32
    %sign3A_285 = arith.cmpi slt, %add3A_278, %sign3A_284 : i32
    %sign3A_286 = arith.extui %sign3A_285 : i1 to i32
    %sign3A_287 = arith.subi %sign3A_283, %sign3A_286 : i32
    %sign3A_288 = arith.constant 0 : i32
    %sign3A_289 = arith.cmpi sgt, %jit3A_279, %sign3A_288 : i32
    %sign3A_290 = arith.extui %sign3A_289 : i1 to i32
    %sign3A_291 = arith.constant 0 : i32
    %sign3A_292 = arith.cmpi slt, %jit3A_279, %sign3A_291 : i32
    %sign3A_293 = arith.extui %sign3A_292 : i1 to i32
    %sign3A_294 = arith.subi %sign3A_290, %sign3A_293 : i32
    %ne3A_295 = arith.cmpi ne, %sign3A_287, %sign3A_294 : i32
    %rem3A_296 = arith.remsi %add3A_278, %jit3A_279 : i32
    %ne3A_297 = arith.constant 0 : i32
    %ne3A_298 = arith.cmpi ne, %rem3A_296, %ne3A_297 : i32
    %and3A_299 = arith.andi %ne3A_295, %ne3A_298 : i1
    %sub3A_300 = arith.constant 1 : i32
    %sub3A_301 = arith.subi %div3A_280, %sub3A_300 : i32
    %select_n3A_302 = arith.select %and3A_299, %sub3A_301, %div3A_280 : i32
    %while3A = arith.constant 0 : i32
    %while3A_303 = arith.subi %select_n3A_302, %select_n3A_276 : i32
    %while3A_304 = arith.addi %select_n3A_276, %while3A_303 : i32
    %while3A_305 = arith.constant 1 : i32
    %while3A_306 = arith.divsi %while3A_303, %while3A_305 : i32
    %while3A_307 = arith.muli %while3A_306, %while3A_305 : i32
    %while3A_308 = arith.addi %select_n3A_276, %while3A_307 : i32
    %while3A_309 = arith.constant 1 : i32
    %while3A_310 = scf.for %while3A_537 = %select_n3A_276 to %while3A_308 step %while3A_309 iter_args(%while3A_538 = %while3A) -> (i32)  : i32 {
      %mul3A_539 = arith.constant 16 : i32
      %mul3A_540 = arith.muli %while3A_537, %mul3A_539 : i32
      %sub3A_541 = arith.subi %mul3A_540, %multiple_of3A : i32
      %multiple_of3A_542 = tpu.assume_multiple %sub3A_541, 16 : i32
      %mul3A_543 = arith.constant 16 : i32
      %mul3A_544 = arith.muli %while3A_537, %mul3A_543 : i32
      %iota3A_545 = tpu.iota {dimensions = array<i32: 0>} : vector<16xi32>
      %add3A_546 = vector.broadcast %mul3A_544 : i32 to vector<16xi32>
      %add3A_547 = arith.addi %add3A_546, %iota3A_545 : vector<16xi32>
      %get3A_548 = arith.constant 0 : i32
      %get3A_549 = arith.index_cast %get3A_548 : i32 to index
      %get3A_550 = arith.index_cast %multiple_of3A_542 : i32 to index
      %get3A_551 = tpu.vector_load %arg10[%get3A_549, %get3A_550] {strides = array<i32>} : memref<2x2064xf32, #tpu.memory_space<vmem>>, vector<16xf32>,
      %ge3A = vector.broadcast %reduce_max3A_186 : i32 to vector<16xi32>
      %ge3A_552 = arith.cmpi sge, %add3A_547, %ge3A : vector<16xi32>
      %lt3A_553 = vector.broadcast %reduce_max3A_244 : i32 to vector<16xi32>
      %lt3A_554 = arith.cmpi slt, %add3A_547, %lt3A_553 : vector<16xi32>
      %and3A_555 = arith.andi %ge3A_552, %lt3A_554 : vector<16xi1>
      %jit3A_556 = arith.constant 0.000000e+00 : f32
      %broadcast_in_dim3A_557 = vector.broadcast %jit3A_556 : f32 to vector<16xf32>
      %select_n3A_558 = arith.select %and3A_555, %broadcast_in_dim3A_557, %get3A_551 : vector<16xi1>, vector<16xf32>
      %swap3A = arith.constant 0 : i32
      %swap3A_559 = arith.index_cast %swap3A : i32 to index
      %swap3A_560 = arith.index_cast %multiple_of3A_542 : i32 to index
      %swap3A_561 = tpu.vector_load %arg10[%swap3A_559, %swap3A_560] {strides = array<i32>} : memref<2x2064xf32, #tpu.memory_space<vmem>>, vector<16xf32>,
      tpu.vector_store %arg10[%swap3A_559, %swap3A_560], %select_n3A_558 {strides = array<i32>} : memref<2x2064xf32, #tpu.memory_space<vmem>>, vector<16xf32>,
      %while3A_562 = arith.constant 0 : i32
      scf.yield %while3A_562 : i32
    }
    %while3A_311 = arith.constant 1 : i32
    %while3A_312 = scf.for %while3A_537 = %while3A_308 to %while3A_304 step %while3A_311 iter_args(%while3A_538 = %while3A_310) -> (i32)  : i32 {
      %mul3A_539 = arith.constant 16 : i32
      %mul3A_540 = arith.muli %while3A_537, %mul3A_539 : i32
      %sub3A_541 = arith.subi %mul3A_540, %multiple_of3A : i32
      %multiple_of3A_542 = tpu.assume_multiple %sub3A_541, 16 : i32
      %mul3A_543 = arith.constant 16 : i32
      %mul3A_544 = arith.muli %while3A_537, %mul3A_543 : i32
      %iota3A_545 = tpu.iota {dimensions = array<i32: 0>} : vector<16xi32>
      %add3A_546 = vector.broadcast %mul3A_544 : i32 to vector<16xi32>
      %add3A_547 = arith.addi %add3A_546, %iota3A_545 : vector<16xi32>
      %get3A_548 = arith.constant 0 : i32
      %get3A_549 = arith.index_cast %get3A_548 : i32 to index
      %get3A_550 = arith.index_cast %multiple_of3A_542 : i32 to index
      %get3A_551 = tpu.vector_load %arg10[%get3A_549, %get3A_550] {strides = array<i32>} : memref<2x2064xf32, #tpu.memory_space<vmem>>, vector<16xf32>,
      %ge3A = vector.broadcast %reduce_max3A_186 : i32 to vector<16xi32>
      %ge3A_552 = arith.cmpi sge, %add3A_547, %ge3A : vector<16xi32>
      %lt3A_553 = vector.broadcast %reduce_max3A_244 : i32 to vector<16xi32>
      %lt3A_554 = arith.cmpi slt, %add3A_547, %lt3A_553 : vector<16xi32>
      %and3A_555 = arith.andi %ge3A_552, %lt3A_554 : vector<16xi1>
      %jit3A_556 = arith.constant 0.000000e+00 : f32
      %broadcast_in_dim3A_557 = vector.broadcast %jit3A_556 : f32 to vector<16xf32>
      %select_n3A_558 = arith.select %and3A_555, %broadcast_in_dim3A_557, %get3A_551 : vector<16xi1>, vector<16xf32>
      %swap3A = arith.constant 0 : i32
      %swap3A_559 = arith.index_cast %swap3A : i32 to index
      %swap3A_560 = arith.index_cast %multiple_of3A_542 : i32 to index
      %swap3A_561 = tpu.vector_load %arg10[%swap3A_559, %swap3A_560] {strides = array<i32>} : memref<2x2064xf32, #tpu.memory_space<vmem>>, vector<16xf32>,
      tpu.vector_store %arg10[%swap3A_559, %swap3A_560], %select_n3A_558 {strides = array<i32>} : memref<2x2064xf32, #tpu.memory_space<vmem>>, vector<16xf32>,
      %while3A_562 = arith.constant 0 : i32
      scf.yield %while3A_562 : i32
    }
    %dma_start3A_313 = arith.constant 0 : i32
    %dma_start3A_314 = arith.constant 0 : i32
    %dma_start3A_315 = tpu.memref_slice %arg10[%dma_start3A_313, %dma_start3A_314] : memref<2x2064xf32, #tpu.memory_space<vmem>> -> memref<1x2064xf32, #tpu.memory_space<vmem>>
    %dma_start3A_316 = tpu.memref_squeeze %dma_start3A_315 : memref<1x2064xf32, #tpu.memory_space<vmem>> -> memref<2064xf32, #tpu.memory_space<vmem>>
    %dma_start3A_317 = tpu.memref_slice %arg5[%multiple_of3A] : memref<16777216xf32, #tpu.memory_space<hbm>> -> memref<2064xf32, #tpu.memory_space<hbm>>
    %dma_start3A_318 = tpu.memref_slice %arg5[%multiple_of3A] : memref<16777216xf32, #tpu.memory_space<hbm>> -> memref<2064xf32, #tpu.memory_space<hbm>>
    %dma_start3A_319 = arith.constant 0 : i32
    %dma_start3A_320 = tpu.memref_slice %arg10[%dma_start3A_313, %dma_start3A_319] : memref<2x2064xf32, #tpu.memory_space<vmem>> -> memref<1x2064xf32, #tpu.memory_space<vmem>>
    %dma_start3A_321 = tpu.memref_squeeze %dma_start3A_320 : memref<1x2064xf32, #tpu.memory_space<vmem>> -> memref<2064xf32, #tpu.memory_space<vmem>>
    tpu.enqueue_dma source(%dma_start3A_321 : memref<2064xf32, #tpu.memory_space<vmem>>) target(%dma_start3A_318 : memref<2064xf32, #tpu.memory_space<hbm>>) target_semaphore(%arg13 : memref<!tpu.dma_semaphore, #tpu.memory_space<semaphore_mem>>)
    %add3A_322 = arith.constant 1 : i32
    %add3A_323 = arith.addi %mul3A_2, %add3A_322 : i32
    %jit3A_324 = arith.constant 16 : i32
    %div3A_325 = arith.divsi %add3A_323, %jit3A_324 : i32
    %sign3A_326 = arith.constant 0 : i32
    %sign3A_327 = arith.cmpi sgt, %add3A_323, %sign3A_326 : i32
    %sign3A_328 = arith.extui %sign3A_327 : i1 to i32
    %sign3A_329 = arith.constant 0 : i32
    %sign3A_330 = arith.cmpi slt, %add3A_323, %sign3A_329 : i32
    %sign3A_331 = arith.extui %sign3A_330 : i1 to i32
    %sign3A_332 = arith.subi %sign3A_328, %sign3A_331 : i32
    %sign3A_333 = arith.constant 0 : i32
    %sign3A_334 = arith.cmpi sgt, %jit3A_324, %sign3A_333 : i32
    %sign3A_335 = arith.extui %sign3A_334 : i1 to i32
    %sign3A_336 = arith.constant 0 : i32
    %sign3A_337 = arith.cmpi slt, %jit3A_324, %sign3A_336 : i32
    %sign3A_338 = arith.extui %sign3A_337 : i1 to i32
    %sign3A_339 = arith.subi %sign3A_335, %sign3A_338 : i32
    %ne3A_340 = arith.cmpi ne, %sign3A_332, %sign3A_339 : i32
    %rem3A_341 = arith.remsi %add3A_323, %jit3A_324 : i32
    %ne3A_342 = arith.constant 0 : i32
    %ne3A_343 = arith.cmpi ne, %rem3A_341, %ne3A_342 : i32
    %and3A_344 = arith.andi %ne3A_340, %ne3A_343 : i1
    %sub3A_345 = arith.constant 1 : i32
    %sub3A_346 = arith.subi %div3A_325, %sub3A_345 : i32
    %select_n3A_347 = arith.select %and3A_344, %sub3A_346, %div3A_325 : i32
    %mul3A_348 = arith.constant 16 : i32
    %mul3A_349 = arith.muli %select_n3A_347, %mul3A_348 : i32
    %get3A_350 = arith.index_cast %mul3A_349 : i32 to index
    %get3A_351 = tpu.vector_load %arg8[%get3A_350] {strides = array<i32>} : memref<64xi32, #tpu.memory_space<vmem>>, vector<16xi32>,
    %iota3A_352 = tpu.iota {dimensions = array<i32: 0>} : vector<16xi32>
    %jit3A_353 = arith.constant 16 : i32
    %eq3A_354 = arith.constant 0 : i32
    %eq3A_355 = arith.cmpi eq, %jit3A_353, %eq3A_354 : i32
    %jit3A_356 = arith.constant 1 : i32
    %select_n3A_357 = arith.select %eq3A_355, %jit3A_356, %jit3A_353 : i32
    %rem3A_358 = arith.remsi %add3A_323, %select_n3A_357 : i32
    %ne3A_359 = arith.constant 0 : i32
    %ne3A_360 = arith.cmpi ne, %rem3A_358, %ne3A_359 : i32
    %lt3A_361 = arith.constant 0 : i32
    %lt3A_362 = arith.cmpi slt, %rem3A_358, %lt3A_361 : i32
    %lt3A_363 = arith.constant 0 : i32
    %lt3A_364 = arith.cmpi slt, %select_n3A_357, %lt3A_363 : i32
    %ne3A_365 = arith.xori %lt3A_362, %lt3A_364 : i1
    %and3A_366 = arith.andi %ne3A_365, %ne3A_360 : i1
    %add3A_367 = arith.addi %rem3A_358, %select_n3A_357 : i32
    %select_n3A_368 = arith.select %and3A_366, %add3A_367, %rem3A_358 : i32
    %eq3A_369 = vector.broadcast %select_n3A_368 : i32 to vector<16xi32>
    %eq3A_370 = arith.cmpi eq, %iota3A_352, %eq3A_369 : vector<16xi32>
    %jit3A_371 = arith.constant 0 : i32
    %broadcast_in_dim3A_372 = vector.broadcast %jit3A_371 : i32 to vector<16xi32>
    %select_n3A_373 = arith.select %eq3A_370, %get3A_351, %broadcast_in_dim3A_372 : vector<16xi1>, vector<16xi32>
    %reduce_max3A_374 = arith.constant true
    %reduce_max3A_375 = vector.broadcast %reduce_max3A_374 : i1 to vector<16xi1>
    %reduce_max3A_376 = arith.constant -2147483648 : i32
    %reduce_max3A_377 = vector.broadcast %reduce_max3A_376 : i32 to vector<16xi32>
    %reduce_max3A_378 = arith.xori %select_n3A_373, %reduce_max3A_377 : vector<16xi32>
    %reduce_max3A_379 = tpu.scan <max>, %reduce_max3A_378 masked %reduce_max3A_375 : vector<16xi32>, vector<16xi1> -> vector<16xi32>
    %reduce_max3A_380 = arith.xori %reduce_max3A_379, %reduce_max3A_377 : vector<16xi32>
    %reduce_max3A_381 = vector.extract %reduce_max3A_380[15] : i32 from vector<16xi32>
    %jit3A_382 = arith.constant 16 : i32
    %div3A_383 = arith.divsi %add3A_323, %jit3A_382 : i32
    %sign3A_384 = arith.constant 0 : i32
    %sign3A_385 = arith.cmpi sgt, %add3A_323, %sign3A_384 : i32
    %sign3A_386 = arith.extui %sign3A_385 : i1 to i32
    %sign3A_387 = arith.constant 0 : i32
    %sign3A_388 = arith.cmpi slt, %add3A_323, %sign3A_387 : i32
    %sign3A_389 = arith.extui %sign3A_388 : i1 to i32
    %sign3A_390 = arith.subi %sign3A_386, %sign3A_389 : i32
    %sign3A_391 = arith.constant 0 : i32
    %sign3A_392 = arith.cmpi sgt, %jit3A_382, %sign3A_391 : i32
    %sign3A_393 = arith.extui %sign3A_392 : i1 to i32
    %sign3A_394 = arith.constant 0 : i32
    %sign3A_395 = arith.cmpi slt, %jit3A_382, %sign3A_394 : i32
    %sign3A_396 = arith.extui %sign3A_395 : i1 to i32
    %sign3A_397 = arith.subi %sign3A_393, %sign3A_396 : i32
    %ne3A_398 = arith.cmpi ne, %sign3A_390, %sign3A_397 : i32
    %rem3A_399 = arith.remsi %add3A_323, %jit3A_382 : i32
    %ne3A_400 = arith.constant 0 : i32
    %ne3A_401 = arith.cmpi ne, %rem3A_399, %ne3A_400 : i32
    %and3A_402 = arith.andi %ne3A_398, %ne3A_401 : i1
    %sub3A_403 = arith.constant 1 : i32
    %sub3A_404 = arith.subi %div3A_383, %sub3A_403 : i32
    %select_n3A_405 = arith.select %and3A_402, %sub3A_404, %div3A_383 : i32
    %mul3A_406 = arith.constant 16 : i32
    %mul3A_407 = arith.muli %select_n3A_405, %mul3A_406 : i32
    %get3A_408 = arith.index_cast %mul3A_407 : i32 to index
    %get3A_409 = tpu.vector_load %arg9[%get3A_408] {strides = array<i32>} : memref<64xi32, #tpu.memory_space<vmem>>, vector<16xi32>,
    %iota3A_410 = tpu.iota {dimensions = array<i32: 0>} : vector<16xi32>
    %jit3A_411 = arith.constant 16 : i32
    %eq3A_412 = arith.constant 0 : i32
    %eq3A_413 = arith.cmpi eq, %jit3A_411, %eq3A_412 : i32
    %jit3A_414 = arith.constant 1 : i32
    %select_n3A_415 = arith.select %eq3A_413, %jit3A_414, %jit3A_411 : i32
    %rem3A_416 = arith.remsi %add3A_323, %select_n3A_415 : i32
    %ne3A_417 = arith.constant 0 : i32
    %ne3A_418 = arith.cmpi ne, %rem3A_416, %ne3A_417 : i32
    %lt3A_419 = arith.constant 0 : i32
    %lt3A_420 = arith.cmpi slt, %rem3A_416, %lt3A_419 : i32
    %lt3A_421 = arith.constant 0 : i32
    %lt3A_422 = arith.cmpi slt, %select_n3A_415, %lt3A_421 : i32
    %ne3A_423 = arith.xori %lt3A_420, %lt3A_422 : i1
    %and3A_424 = arith.andi %ne3A_423, %ne3A_418 : i1
    %add3A_425 = arith.addi %rem3A_416, %select_n3A_415 : i32
    %select_n3A_426 = arith.select %and3A_424, %add3A_425, %rem3A_416 : i32
    %eq3A_427 = vector.broadcast %select_n3A_426 : i32 to vector<16xi32>
    %eq3A_428 = arith.cmpi eq, %iota3A_410, %eq3A_427 : vector<16xi32>
    %jit3A_429 = arith.constant 0 : i32
    %broadcast_in_dim3A_430 = vector.broadcast %jit3A_429 : i32 to vector<16xi32>
    %select_n3A_431 = arith.select %eq3A_428, %get3A_409, %broadcast_in_dim3A_430 : vector<16xi1>, vector<16xi32>
    %reduce_max3A_432 = arith.constant true
    %reduce_max3A_433 = vector.broadcast %reduce_max3A_432 : i1 to vector<16xi1>
    %reduce_max3A_434 = arith.constant -2147483648 : i32
    %reduce_max3A_435 = vector.broadcast %reduce_max3A_434 : i32 to vector<16xi32>
    %reduce_max3A_436 = arith.xori %select_n3A_431, %reduce_max3A_435 : vector<16xi32>
    %reduce_max3A_437 = tpu.scan <max>, %reduce_max3A_436 masked %reduce_max3A_433 : vector<16xi32>, vector<16xi1> -> vector<16xi32>
    %reduce_max3A_438 = arith.xori %reduce_max3A_437, %reduce_max3A_435 : vector<16xi32>
    %reduce_max3A_439 = vector.extract %reduce_max3A_438[15] : i32 from vector<16xi32>
    %dma_wait3A_440 = arith.constant 1 : i32
    %dma_wait3A_441 = arith.constant 0 : i32
    %dma_wait3A_442 = tpu.memref_slice %arg10[%dma_wait3A_440, %dma_wait3A_441] : memref<2x2064xf32, #tpu.memory_space<vmem>> -> memref<1x2064xf32, #tpu.memory_space<vmem>>
    %dma_wait3A_443 = tpu.memref_squeeze %dma_wait3A_442 : memref<1x2064xf32, #tpu.memory_space<vmem>> -> memref<2064xf32, #tpu.memory_space<vmem>>
    %dma_wait3A_444 = tpu.memref_slice %arg5[%multiple_of3A_109] : memref<16777216xf32, #tpu.memory_space<hbm>> -> memref<2064xf32, #tpu.memory_space<hbm>>
    %dma_wait3A_445 = arith.constant 0 : i32
    %dma_wait3A_446 = tpu.memref_slice %arg10[%dma_wait3A_440, %dma_wait3A_445] : memref<2x2064xf32, #tpu.memory_space<vmem>> -> memref<1x2064xf32, #tpu.memory_space<vmem>>
    %dma_wait3A_447 = tpu.memref_squeeze %dma_wait3A_446 : memref<1x2064xf32, #tpu.memory_space<vmem>> -> memref<2064xf32, #tpu.memory_space<vmem>>
    %dma_wait3A_448 = tpu.memref_slice %arg5[%multiple_of3A_109] : memref<16777216xf32, #tpu.memory_space<hbm>> -> memref<2064xf32, #tpu.memory_space<hbm>>
    tpu.wait_dma2 semaphore(%arg12 : memref<!tpu.dma_semaphore, #tpu.memory_space<semaphore_mem>>) src(%dma_wait3A_448 : memref<2064xf32, #tpu.memory_space<hbm>>) dst(%dma_wait3A_447 : memref<2064xf32, #tpu.memory_space<vmem>>)
    %jit3A_449 = arith.constant 16 : i32
    %div3A_450 = arith.divsi %reduce_max3A_381, %jit3A_449 : i32
    %sign3A_451 = arith.constant 0 : i32
    %sign3A_452 = arith.cmpi sgt, %reduce_max3A_381, %sign3A_451 : i32
    %sign3A_453 = arith.extui %sign3A_452 : i1 to i32
    %sign3A_454 = arith.constant 0 : i32
    %sign3A_455 = arith.cmpi slt, %reduce_max3A_381, %sign3A_454 : i32
    %sign3A_456 = arith.extui %sign3A_455 : i1 to i32
    %sign3A_457 = arith.subi %sign3A_453, %sign3A_456 : i32
    %sign3A_458 = arith.constant 0 : i32
    %sign3A_459 = arith.cmpi sgt, %jit3A_449, %sign3A_458 : i32
    %sign3A_460 = arith.extui %sign3A_459 : i1 to i32
    %sign3A_461 = arith.constant 0 : i32
    %sign3A_462 = arith.cmpi slt, %jit3A_449, %sign3A_461 : i32
    %sign3A_463 = arith.extui %sign3A_462 : i1 to i32
    %sign3A_464 = arith.subi %sign3A_460, %sign3A_463 : i32
    %ne3A_465 = arith.cmpi ne, %sign3A_457, %sign3A_464 : i32
    %rem3A_466 = arith.remsi %reduce_max3A_381, %jit3A_449 : i32
    %ne3A_467 = arith.constant 0 : i32
    %ne3A_468 = arith.cmpi ne, %rem3A_466, %ne3A_467 : i32
    %and3A_469 = arith.andi %ne3A_465, %ne3A_468 : i1
    %sub3A_470 = arith.constant 1 : i32
    %sub3A_471 = arith.subi %div3A_450, %sub3A_470 : i32
    %select_n3A_472 = arith.select %and3A_469, %sub3A_471, %div3A_450 : i32
    %add3A_473 = arith.constant 15 : i32
    %add3A_474 = arith.addi %reduce_max3A_439, %add3A_473 : i32
    %jit3A_475 = arith.constant 16 : i32
    %div3A_476 = arith.divsi %add3A_474, %jit3A_475 : i32
    %sign3A_477 = arith.constant 0 : i32
    %sign3A_478 = arith.cmpi sgt, %add3A_474, %sign3A_477 : i32
    %sign3A_479 = arith.extui %sign3A_478 : i1 to i32
    %sign3A_480 = arith.constant 0 : i32
    %sign3A_481 = arith.cmpi slt, %add3A_474, %sign3A_480 : i32
    %sign3A_482 = arith.extui %sign3A_481 : i1 to i32
    %sign3A_483 = arith.subi %sign3A_479, %sign3A_482 : i32
    %sign3A_484 = arith.constant 0 : i32
    %sign3A_485 = arith.cmpi sgt, %jit3A_475, %sign3A_484 : i32
    %sign3A_486 = arith.extui %sign3A_485 : i1 to i32
    %sign3A_487 = arith.constant 0 : i32
    %sign3A_488 = arith.cmpi slt, %jit3A_475, %sign3A_487 : i32
    %sign3A_489 = arith.extui %sign3A_488 : i1 to i32
    %sign3A_490 = arith.subi %sign3A_486, %sign3A_489 : i32
    %ne3A_491 = arith.cmpi ne, %sign3A_483, %sign3A_490 : i32
    %rem3A_492 = arith.remsi %add3A_474, %jit3A_475 : i32
    %ne3A_493 = arith.constant 0 : i32
    %ne3A_494 = arith.cmpi ne, %rem3A_492, %ne3A_493 : i32
    %and3A_495 = arith.andi %ne3A_491, %ne3A_494 : i1
    %sub3A_496 = arith.constant 1 : i32
    %sub3A_497 = arith.subi %div3A_476, %sub3A_496 : i32
    %select_n3A_498 = arith.select %and3A_495, %sub3A_497, %div3A_476 : i32
    %while3A_499 = arith.constant 0 : i32
    %while3A_500 = arith.subi %select_n3A_498, %select_n3A_472 : i32
    %while3A_501 = arith.addi %select_n3A_472, %while3A_500 : i32
    %while3A_502 = arith.constant 1 : i32
    %while3A_503 = arith.divsi %while3A_500, %while3A_502 : i32
    %while3A_504 = arith.muli %while3A_503, %while3A_502 : i32
    %while3A_505 = arith.addi %select_n3A_472, %while3A_504 : i32
    %while3A_506 = arith.constant 1 : i32
    %while3A_507 = scf.for %while3A_537 = %select_n3A_472 to %while3A_505 step %while3A_506 iter_args(%while3A_538 = %while3A_499) -> (i32)  : i32 {
      %mul3A_539 = arith.constant 16 : i32
      %mul3A_540 = arith.muli %while3A_537, %mul3A_539 : i32
      %sub3A_541 = arith.subi %mul3A_540, %multiple_of3A_109 : i32
      %multiple_of3A_542 = tpu.assume_multiple %sub3A_541, 16 : i32
      %mul3A_543 = arith.constant 16 : i32
      %mul3A_544 = arith.muli %while3A_537, %mul3A_543 : i32
      %iota3A_545 = tpu.iota {dimensions = array<i32: 0>} : vector<16xi32>
      %add3A_546 = vector.broadcast %mul3A_544 : i32 to vector<16xi32>
      %add3A_547 = arith.addi %add3A_546, %iota3A_545 : vector<16xi32>
      %get3A_548 = arith.constant 1 : i32
      %get3A_549 = arith.index_cast %get3A_548 : i32 to index
      %get3A_550 = arith.index_cast %multiple_of3A_542 : i32 to index
      %get3A_551 = tpu.vector_load %arg10[%get3A_549, %get3A_550] {strides = array<i32>} : memref<2x2064xf32, #tpu.memory_space<vmem>>, vector<16xf32>,
      %ge3A = vector.broadcast %reduce_max3A_381 : i32 to vector<16xi32>
      %ge3A_552 = arith.cmpi sge, %add3A_547, %ge3A : vector<16xi32>
      %lt3A_553 = vector.broadcast %reduce_max3A_439 : i32 to vector<16xi32>
      %lt3A_554 = arith.cmpi slt, %add3A_547, %lt3A_553 : vector<16xi32>
      %and3A_555 = arith.andi %ge3A_552, %lt3A_554 : vector<16xi1>
      %jit3A_556 = arith.constant 0.000000e+00 : f32
      %broadcast_in_dim3A_557 = vector.broadcast %jit3A_556 : f32 to vector<16xf32>
      %select_n3A_558 = arith.select %and3A_555, %broadcast_in_dim3A_557, %get3A_551 : vector<16xi1>, vector<16xf32>
      %swap3A = arith.constant 1 : i32
      %swap3A_559 = arith.index_cast %swap3A : i32 to index
      %swap3A_560 = arith.index_cast %multiple_of3A_542 : i32 to index
      %swap3A_561 = tpu.vector_load %arg10[%swap3A_559, %swap3A_560] {strides = array<i32>} : memref<2x2064xf32, #tpu.memory_space<vmem>>, vector<16xf32>,
      tpu.vector_store %arg10[%swap3A_559, %swap3A_560], %select_n3A_558 {strides = array<i32>} : memref<2x2064xf32, #tpu.memory_space<vmem>>, vector<16xf32>,
      %while3A_562 = arith.constant 0 : i32
      scf.yield %while3A_562 : i32
    }
    %while3A_508 = arith.constant 1 : i32
    %while3A_509 = scf.for %while3A_537 = %while3A_505 to %while3A_501 step %while3A_508 iter_args(%while3A_538 = %while3A_507) -> (i32)  : i32 {
      %mul3A_539 = arith.constant 16 : i32
      %mul3A_540 = arith.muli %while3A_537, %mul3A_539 : i32
      %sub3A_541 = arith.subi %mul3A_540, %multiple_of3A_109 : i32
      %multiple_of3A_542 = tpu.assume_multiple %sub3A_541, 16 : i32
      %mul3A_543 = arith.constant 16 : i32
      %mul3A_544 = arith.muli %while3A_537, %mul3A_543 : i32
      %iota3A_545 = tpu.iota {dimensions = array<i32: 0>} : vector<16xi32>
      %add3A_546 = vector.broadcast %mul3A_544 : i32 to vector<16xi32>
      %add3A_547 = arith.addi %add3A_546, %iota3A_545 : vector<16xi32>
      %get3A_548 = arith.constant 1 : i32
      %get3A_549 = arith.index_cast %get3A_548 : i32 to index
      %get3A_550 = arith.index_cast %multiple_of3A_542 : i32 to index
      %get3A_551 = tpu.vector_load %arg10[%get3A_549, %get3A_550] {strides = array<i32>} : memref<2x2064xf32, #tpu.memory_space<vmem>>, vector<16xf32>,
      %ge3A = vector.broadcast %reduce_max3A_381 : i32 to vector<16xi32>
      %ge3A_552 = arith.cmpi sge, %add3A_547, %ge3A : vector<16xi32>
      %lt3A_553 = vector.broadcast %reduce_max3A_439 : i32 to vector<16xi32>
      %lt3A_554 = arith.cmpi slt, %add3A_547, %lt3A_553 : vector<16xi32>
      %and3A_555 = arith.andi %ge3A_552, %lt3A_554 : vector<16xi1>
      %jit3A_556 = arith.constant 0.000000e+00 : f32
      %broadcast_in_dim3A_557 = vector.broadcast %jit3A_556 : f32 to vector<16xf32>
      %select_n3A_558 = arith.select %and3A_555, %broadcast_in_dim3A_557, %get3A_551 : vector<16xi1>, vector<16xf32>
      %swap3A = arith.constant 1 : i32
      %swap3A_559 = arith.index_cast %swap3A : i32 to index
      %swap3A_560 = arith.index_cast %multiple_of3A_542 : i32 to index
      %swap3A_561 = tpu.vector_load %arg10[%swap3A_559, %swap3A_560] {strides = array<i32>} : memref<2x2064xf32, #tpu.memory_space<vmem>>, vector<16xf32>,
      tpu.vector_store %arg10[%swap3A_559, %swap3A_560], %select_n3A_558 {strides = array<i32>} : memref<2x2064xf32, #tpu.memory_space<vmem>>, vector<16xf32>,
      %while3A_562 = arith.constant 0 : i32
      scf.yield %while3A_562 : i32
    }
    %dma_start3A_510 = arith.constant 1 : i32
    %dma_start3A_511 = arith.constant 0 : i32
    %dma_start3A_512 = tpu.memref_slice %arg10[%dma_start3A_510, %dma_start3A_511] : memref<2x2064xf32, #tpu.memory_space<vmem>> -> memref<1x2064xf32, #tpu.memory_space<vmem>>
    %dma_start3A_513 = tpu.memref_squeeze %dma_start3A_512 : memref<1x2064xf32, #tpu.memory_space<vmem>> -> memref<2064xf32, #tpu.memory_space<vmem>>
    %dma_start3A_514 = tpu.memref_slice %arg5[%multiple_of3A_109] : memref<16777216xf32, #tpu.memory_space<hbm>> -> memref<2064xf32, #tpu.memory_space<hbm>>
    %dma_start3A_515 = tpu.memref_slice %arg5[%multiple_of3A_109] : memref<16777216xf32, #tpu.memory_space<hbm>> -> memref<2064xf32, #tpu.memory_space<hbm>>
    %dma_start3A_516 = arith.constant 0 : i32
    %dma_start3A_517 = tpu.memref_slice %arg10[%dma_start3A_510, %dma_start3A_516] : memref<2x2064xf32, #tpu.memory_space<vmem>> -> memref<1x2064xf32, #tpu.memory_space<vmem>>
    %dma_start3A_518 = tpu.memref_squeeze %dma_start3A_517 : memref<1x2064xf32, #tpu.memory_space<vmem>> -> memref<2064xf32, #tpu.memory_space<vmem>>
    tpu.enqueue_dma source(%dma_start3A_518 : memref<2064xf32, #tpu.memory_space<vmem>>) target(%dma_start3A_515 : memref<2064xf32, #tpu.memory_space<hbm>>) target_semaphore(%arg14 : memref<!tpu.dma_semaphore, #tpu.memory_space<semaphore_mem>>)
    %dma_wait3A_519 = arith.constant 0 : i32
    %dma_wait3A_520 = arith.constant 0 : i32
    %dma_wait3A_521 = tpu.memref_slice %arg10[%dma_wait3A_519, %dma_wait3A_520] : memref<2x2064xf32, #tpu.memory_space<vmem>> -> memref<1x2064xf32, #tpu.memory_space<vmem>>
    %dma_wait3A_522 = tpu.memref_squeeze %dma_wait3A_521 : memref<1x2064xf32, #tpu.memory_space<vmem>> -> memref<2064xf32, #tpu.memory_space<vmem>>
    %dma_wait3A_523 = tpu.memref_slice %arg5[%multiple_of3A] : memref<16777216xf32, #tpu.memory_space<hbm>> -> memref<2064xf32, #tpu.memory_space<hbm>>
    %dma_wait3A_524 = tpu.memref_slice %arg5[%multiple_of3A] : memref<16777216xf32, #tpu.memory_space<hbm>> -> memref<2064xf32, #tpu.memory_space<hbm>>
    %dma_wait3A_525 = arith.constant 0 : i32
    %dma_wait3A_526 = tpu.memref_slice %arg10[%dma_wait3A_519, %dma_wait3A_525] : memref<2x2064xf32, #tpu.memory_space<vmem>> -> memref<1x2064xf32, #tpu.memory_space<vmem>>
    %dma_wait3A_527 = tpu.memref_squeeze %dma_wait3A_526 : memref<1x2064xf32, #tpu.memory_space<vmem>> -> memref<2064xf32, #tpu.memory_space<vmem>>
    tpu.wait_dma2 semaphore(%arg13 : memref<!tpu.dma_semaphore, #tpu.memory_space<semaphore_mem>>) src(%dma_wait3A_527 : memref<2064xf32, #tpu.memory_space<vmem>>) dst(%dma_wait3A_524 : memref<2064xf32, #tpu.memory_space<hbm>>)
    %dma_wait3A_528 = arith.constant 1 : i32
    %dma_wait3A_529 = arith.constant 0 : i32
    %dma_wait3A_530 = tpu.memref_slice %arg10[%dma_wait3A_528, %dma_wait3A_529] : memref<2x2064xf32, #tpu.memory_space<vmem>> -> memref<1x2064xf32, #tpu.memory_space<vmem>>
    %dma_wait3A_531 = tpu.memref_squeeze %dma_wait3A_530 : memref<1x2064xf32, #tpu.memory_space<vmem>> -> memref<2064xf32, #tpu.memory_space<vmem>>
    %dma_wait3A_532 = tpu.memref_slice %arg5[%multiple_of3A_109] : memref<16777216xf32, #tpu.memory_space<hbm>> -> memref<2064xf32, #tpu.memory_space<hbm>>
    %dma_wait3A_533 = tpu.memref_slice %arg5[%multiple_of3A_109] : memref<16777216xf32, #tpu.memory_space<hbm>> -> memref<2064xf32, #tpu.memory_space<hbm>>
    %dma_wait3A_534 = arith.constant 0 : i32
    %dma_wait3A_535 = tpu.memref_slice %arg10[%dma_wait3A_528, %dma_wait3A_534] : memref<2x2064xf32, #tpu.memory_space<vmem>> -> memref<1x2064xf32, #tpu.memory_space<vmem>>
    %dma_wait3A_536 = tpu.memref_squeeze %dma_wait3A_535 : memref<1x2064xf32, #tpu.memory_space<vmem>> -> memref<2064xf32, #tpu.memory_space<vmem>>
    tpu.wait_dma2 semaphore(%arg14 : memref<!tpu.dma_semaphore, #tpu.memory_space<semaphore_mem>>) src(%dma_wait3A_536 : memref<2064xf32, #tpu.memory_space<vmem>>) dst(%dma_wait3A_533 : memref<2064xf32, #tpu.memory_space<hbm>>)
    return
  }
}

</mosaic_0001>

<sc_bundles>
// kernel: kernel.3.cloned.1.call-start
scs
__scs_entry_jumppad:
0x0: {  	(pc) =	sbr.rel $0x88, $3  }
0x1: {  	(tag) =	ssettag $0x0;
	lr =	simm.s32 $0x1  }
0x2: {  	[smem:$0x3FA0] =	sst lr;
	_ =	strace $0xD0000000  }
0x3: {  	_ = 	snop  }
0x4: {  	_ = 	snop  }
0x5: {  	_ = 	snop  }
0x6: {  	_ = 	snop  }
0x7: {  	_ = 	snop  }
__scs_overlays_trampoline_lowered:
0x8: {  	[smem:$0x3FAF] =	sst s0  }
0x9: {  	[smem:$0x3FB0] =	sst s1  }
0xa: {  	[smem:$0x3FB1] =	sst s2  }
0xb: {  	[smem:$0x3FB2] =	sst s3  }
0xc: {  	[smem:$0x3FB3] =	sst s4  }
0xd: {  	[smem:$0x3FB4] =	sst s5  }
0xe: {  	[smem:$0x3FB5] =	sst s6  }
0xf: {  	[smem:$0x3FB6] =	sst s7  }
0x10: {  	[smem:$0x3FB7] =	sst s8  }
0x11: {  	[smem:$0x3FB8] =	sst s9;
	s0 =	simm.s32 @!p0 $0x0  }
0x12: {  	s1 =	sld [smem:$0x3F9E];
	s0 =	simm.s32 @p0 $0x1  }
0x13: {  	[smem:$0x3FB9] =	sst s0;
	s0 =	simm.s32 @!p1 $0x0  }
0x14: {  	s2 =	sld [smem:$0x3F9D];
	s0 =	simm.s32 @p1 $0x1  }
0x15: {  	[smem:$0x3FBA] =	sst s0;
	s0 =	simm.s32 @!p2 $0x0  }
0x16: {  	s3 =	sld [smem:$0x3FDB];
	s0 =	simm.s32 @p2 $0x1  }
0x17: {  	s4 =	simm.s32 $0x1BF5;
	[smem:$0x3FBC] =	sst s0  }
0x18: {  	s0 =	sld [smem:$0x3F9F];
	_ =	swait.ge [sflag:s4], $0x0  }
0x19: {  	s7 =	sld [smem:$0x3FA0]  }
0x1a: {  	s8 =	sadd.s32 $0xFFFFE003, lr  }
0x1b: {  	s9 =	sadd.s32 $0xFFFFFEF7, lr;
	s5 =	simm.s32 $0xFFFFFFFF;
	p2 =	slt.u32 s8, $0xFFFFF086  }
0x1c: {  	p1 =	slt.u32 s9, $0xF7A;
	s5 =	simm.s32 @!p2 $0x0  }
0x1d: {  	s5 =	simm.s32 @p1 $0x1;
	p0 =	seq.s32 s7, s2  }
0x1e: {  	s7 =	smul.u32 @!p0 $0xF7A, s2;
	p2 =	seq.s32 @!p0 s5, $0x0  }
0x1f: {  	s9 =	smul.u32 $0xF7A, s1;
	s8 =	simm.s32 @!p0 $0x1BF5;
	p2 =	por !p2, p0  }
0x20: {  	[sflag:s8] =	ssyncset.s32 @!p0 $0xFFFFF086;
	s6 =	sadd.s32 @!p0 s3, s7;
	s7 =	simm.s32 @!p0 $0x108  }
0x21: {  	s3 =	sadd.s32 s3, s9;
	s6 =	sadd.s32 @!p0 $0x88, s6;
	s7 =	simm.s32 @p2 $0x1082  }
0x22: {  	[simem:s7], [sflag:s8] =	dma.local @!p0 [hbm:s6], $0xF7A  }
0x23: {  	s9 =	sor.u32 $0xD0000000, s2;
	s6 =	simm.s32 $0x108;
	_ =	swait.ge @!p0 [sflag:s8], $0x0  }
0x24: {  	s3 =	sadd.s32 $0x88, s3;
	s6 =	simm.s32 @!p1 $0x1082;
	[sflag:s4] =	ssyncset.s32 $0xFFFFF086  }
0x25: {  	[simem:s6], [sflag:s4] =	dma.local [hbm:s3], $0xF7A  }
0x26: {  	[smem:$0x3FA0] =	sst s1;
	(tag) =	ssettag s2;
	_ =	strace s9  }
0x27: {  	s1 =	sld [smem:$0x3FB0]  }
0x28: {  	s2 =	sld [smem:$0x3FB1]  }
0x29: {  	s4 =	sld [smem:$0x3FB3]  }
0x2a: {  	p0 =	seq.s32 s5, $0x0;
	s5 =	sld [smem:$0x3FB4]  }
0x2b: {  	s6 =	sld [smem:$0x3FB5]  }
0x2c: {  	s7 =	sld [smem:$0x3FB6]  }
0x2d: {  	s3 =	simm.s32 $0x108;
	s8 =	sld [smem:$0x3FB7]  }
0x2e: {  	s3 =	simm.s32 @!p0 $0x1082;
	s9 =	sld [smem:$0x3FB8]  }
0x2f: {  	lr =	sadd.s32 s0, s3;
	s0 =	sld [smem:$0x3FAF]  }
0x30: {  	s3 =	sld [smem:$0x3FB2]  }
0x31: {  	[smem:$0x3FBB] =	sst s10  }
0x32: {  	s10 =	sld [smem:$0x3FB9];
	_ =	sdelay $0x3  }
0x33: {  	p0 =	seq.s32 s10, $0x1;
	s10 =	sld [smem:$0x3FBB];
	_ =	sdelay $0x3  }
0x34: {  	[smem:$0x3FBB] =	sst s10  }
0x35: {  	s10 =	sld [smem:$0x3FBA];
	_ =	sdelay $0x3  }
0x36: {  	p1 =	seq.s32 s10, $0x1;
	s10 =	sld [smem:$0x3FBB];
	_ =	sdelay $0x3  }
0x37: {  	[smem:$0x3FBB] =	sst s10  }
0x38: {  	s10 =	sld [smem:$0x3FBC]  }
0x39: {  	_ = 	snop;
	(pc) =	sbr.ind lr, $3  }
0x3a: {  	_ = 	snop  }
0x3b: {  	_ = 	snop  }
0x3c: {  	p2 =	seq.s32 s10, $0x1;
	s10 =	sld [smem:$0x3FBB]  }
0x3d: {  	_ =	shalt  }
0x3e: {  	_ =	shalt  }
0x3f: {  	_ =	shalt  }
0x40: {  	_ =	shalt  }
0x41: {  	_ =	shalt  }
0x42: {  	_ =	shalt  }
0x43: {  	_ =	shalt  }
0x44: {  	_ =	shalt  }
0x45: {  	_ =	shalt  }
0x46: {  	_ =	shalt  }
0x47: {  	_ =	shalt  }
0x48: {  	_ =	shalt  }
0x49: {  	_ =	shalt  }
0x4a: {  	_ =	shalt  }
0x4b: {  	_ =	shalt  }
0x4c: {  	_ =	shalt  }
0x4d: {  	_ =	shalt  }
0x4e: {  	_ =	shalt  }
0x4f: {  	_ =	shalt  }
0x50: {  	_ =	shalt  }
0x51: {  	_ =	shalt  }
0x52: {  	_ =	shalt  }
0x53: {  	_ =	shalt  }
0x54: {  	_ =	shalt  }
0x55: {  	_ =	shalt  }
0x56: {  	_ =	shalt  }
0x57: {  	_ =	shalt  }
0x58: {  	_ =	shalt  }
0x59: {  	_ =	shalt  }
0x5a: {  	_ =	shalt  }
0x5b: {  	_ =	shalt  }
0x5c: {  	_ =	shalt  }
0x5d: {  	_ =	shalt  }
0x5e: {  	_ =	shalt  }
0x5f: {  	_ =	shalt  }
0x60: {  	_ =	shalt  }
0x61: {  	_ =	shalt  }
0x62: {  	_ =	shalt  }
0x63: {  	_ =	shalt  }
0x64: {  	_ =	shalt  }
0x65: {  	_ =	shalt  }
0x66: {  	_ =	shalt  }
0x67: {  	_ =	shalt  }
0x68: {  	_ =	shalt  }
0x69: {  	_ =	shalt  }
0x6a: {  	_ =	shalt  }
0x6b: {  	_ =	shalt  }
0x6c: {  	_ =	shalt  }
0x6d: {  	_ =	shalt  }
0x6e: {  	_ =	shalt  }
0x6f: {  	_ =	shalt  }
0x70: {  	_ =	shalt  }
0x71: {  	_ =	shalt  }
0x72: {  	_ =	shalt  }
0x73: {  	_ =	shalt  }
0x74: {  	_ =	shalt  }
0x75: {  	_ =	shalt  }
0x76: {  	_ =	shalt  }
0x77: {  	_ =	shalt  }
0x78: {  	_ =	shalt  }
0x79: {  	_ =	shalt  }
0x7a: {  	_ =	shalt  }
0x7b: {  	_ =	shalt  }
0x7c: {  	_ =	shalt  }
0x7d: {  	_ =	shalt  }
0x7e: {  	_ =	shalt  }
0x7f: {  	_ =	shalt  }
0x80: {  	_ =	shalt  }
0x81: {  	_ =	shalt  }
0x82: {  	_ =	shalt  }
0x83: {  	_ =	shalt  }
0x84: {  	_ =	shalt  }
0x85: {  	_ =	shalt  }
0x86: {  	_ =	shalt  }
0x87: {  	_ =	shalt  }
.Lfunc_end0:
.L_simem_size_0:
called_computation.1_lowered:
.L_overlay_start_0:
0x88: {  	s2 =	sld [smem:$0x3FD9]  }
0x89: {  	s3 =	sld [smem:$0x3FFE];
	_ =	sdelay $0x1  }
0x8a: {  	s1 =	srdreg.scid  }
0x8b: {  	s0 =	sand.u32 $0x1, s1  }
0x8c: {  	s17 =	sshll.u32 s0, $0xA;
	s2 =	sadd.s32 s3, s2  }
0x8d: {  	s2 =	sadd.s32 s2, s17  }
0x8e: {  	[smem:$0x3FC7] =	sst s2  }
0x8f: {  	_ = 	snop  }
0x90: {  	s2 =	sld [smem:$0x3FD0];
	(tm) =	ssettm $0x1  }
0x91: {  	s18 =	sld [smem:$0x3FFB];
	_ =	sdelay $0x3  }
0x92: {  	_ =	strace s18  }
0x93: {  	s3 =	sld [smem:$0x3FFC];
	_ =	sdelay $0x3  }
0x94: {  	_ =	strace s3  }
0x95: {  	s3 =	sld [smem:$0x3FFD];
	_ =	sdelay $0x3  }
0x96: {  	_ =	strace s3  }
0x97: {  	_ =	strace $0x8FFFFFFF  }
0x98: {  	s19 =	sld [smem:$0x3FDB];
	_ =	sdelay $0x1  }
0x99: {  	s4 =	simm.s32 $_scs_section_size  }
0x9a: {  	s5 =	simm.s32 $_size__tile_overlayer_lowered;
	s6 =	simm.s32 $_tile_overlayer_lowered  }
0x9b: {  	s22 =	simm.s32 $0x1BFF;
	s21 =	sshll.u32 s6, $0x1;
	s3 =	sadd.s32 s4, s19  }
0x9c: {  	s7 =	simm.s32 $0x0;
	s20 =	sshll.u32 s5, $0x1;
	s5 =	sadd.s32 s21, s3  }
0x9d: {  	[timem:s7], [sflag:s22] =	dma.local [hbm:s5], s20  }
0x9e: {  	_ =	swait.ge [sflag:s22], s20  }
0x9f: {  	s4 =	ssub.s32 $0x0, s20;
	[sflag:s22] =	ssyncset.done $0x0  }
0xa0: {  	[sflag:s22] =	ssyncadd.s32 s4;
	_ =	sdelay $0x1  }
0xa1: {  	s23 =	simm.s32 $0x1B8B  }
0xa2: {  	_ =	swait.ge [sflag:s23], $0x1  }
0xa3: {  	[sflag:s23] =	ssyncset.done $0x0  }
0xa4: {  	s25 =	simm.s32 $0x1B8E;
	s24 =	sld [smem:$0x3FFE];
	[sflag:s23] =	ssyncadd.s32 $0xFFFFFFFF  }
0xa5: {  	s26 =	simm.s32 $execute0_lowered;
	[smem:$0x3FD2] =	sst s25  }
0xa6: {  	s5 =	sshll.u32 s26, $0x1;
	_ =	strace $0x80000049;
	[dreg:$0x1] =	wrdreg $0xFFFFFFFF  }
0xa7: {  	s28 =	simm.s32 $_size_execute0_lowered;
	s3 =	sadd.s32 s3, s5;
	[dreg:$0x0] =	wrdreg $0x0  }
0xa8: {  	s5 =	sshll.u32 s28, $0x1;
	[dreg:$0x2] =	wrdreg s3  }
0xa9: {  	[dreg:$0x3] =	wrdreg s5  }
0xaa: {  	[dreg:$0x4] =	wrdreg $0xC0  }
0xab: {  	_ =	task [dreg:s7], $0x5FFFF  }
0xac: {  	[dreg:$0x1] =	wrdreg $0xFFFFFFFF  }
0xad: {  	[dreg:$0x0] =	wrdreg $0x60  }
0xae: {  	[dreg:$0x2] =	wrdreg s24  }
0xaf: {  	[dreg:$0x3] =	wrdreg s2  }
0xb0: {  	[dreg:$0x4] =	wrdreg $0x9  }
0xb1: {  	_ =	task.clear_ibuf [dreg:s7], $0x5FFFF;
	_ =	strace $0x90000049  }
0xb2: {  	s29 =	simm.s32 $0x9;
	_ =	strace $0x8000004B  }
0xb3: {  	_ =	swait.ge [sflag:s29], $0x1  }
0xb4: {  	[sflag:s29] =	ssyncadd.s32 $0xFFFFFFFF  }
0xb5: {  	_ =	strace $0x9000004B  }
0xb6: {  	_ =	sfence  }
0xb7: {  	s30 =	sld [smem:$0x0];
	_ =	sdelay $0x2  }
0xb8: {  	s31 =	sshll.u32 s1, $0xD;
	s1 =	sshrl.u32 s1, $0x2  }
0xb9: {  	s3 =	sand.u32 $0x4000, s31;
	s1 =	sadd.s32 s1, s30  }
0xba: {  	s0 =	sor.u32 s3, s0;
	s1 =	sshll.u32 s1, $0x11  }
0xbb: {  	s0 =	sor.u32 s1, s0  }
0xbc: {  	s0 =	sadd.s32 $0x8F2B, s0  }
0xbd: {  	[sflag:s0] =	ssyncadd.remote.s32 $0x1  }
0xbe: {  	_ =	sfence.sel $0xFFFF  }
0xbf: {  	[dreg:$0x0] =	wrdreg $0xFFFFFFFF;
	(pc) =	sbr.abs _section_cstart, $3  }
0xc0: {  	[dreg:$0x1] =	wrdreg $0xFFFFFFFF  }
0xc1: {  	_ =	task.clear_ibuf [dreg:s7], $0x2FFFF;
	_ =	strace $0x9FFFFFFF  }
0xc2: {  	(tm) =	ssettm $0x7FFFFFFF  }
0xc3: {  	_ =	shalt  }
tec
execute0_lowered:
.L_overlay_start_1:
0x0: {  	(tag) =	ssettag $0x1  }
0x1: {  	s6 =	rddreg [dreg:$0x0]  }
0x2: {  	s1 =	rddreg [dreg:$0x1]  }
0x3: {  	s0 =	rddreg [dreg:$0x2]  }
0x4: {  	s2 =	simm.s32 $0x0;
	s7 =	srdreg.scid;
	s3 =	stileid.u32  }
0x5: {  	s15 =	simm.s32 $0x2;
	s16 =	simm.s32 $0x3;
	s17 =	simm.s32 $0x4  }
0x6: {  	s18 =	simm.s32 $0x0;
	[smem:$0x7FF] =	sst s2;
	s4 =	sadd.s32 $0x201600, s6  }
0x7: {  	s5 =	sadd.s32 $0x201A00, s6;
	s7 =	sand.u32 $0x1, s7;
	s6 =	sadd.s32 $0x1600, s6  }
0x8: {  	s9 =	sshll.u32 s3, $0x2;
	_ =	strace $0x8000004A;
	s8 =	ssub.s32 $0x2, s7  }
.Ltmp0:
0x9: {  	s11 =	sshll.u32 s7, $0x1;
	s12 =	sand.u32 $0xC, s9;
	(pc) =	sbr.rel .LBB2_1-.Ltmp0, $4  }
0xa: {  	s7 =	sand.u32 $0x30, s9;
	s9 =	simm.s32 $0x5;
	s13 =	sor.u32 s11, s12  }
0xb: {  	s10 =	sshrl.u32 s8, $0x1;
	s11 =	simm.s32 $0x80;
	s14 =	sor.u32 $0x1, s13  }
0xc: {  	v0 =	vlaneseq.u32;
	s12 =	simm.s32 $0xC0;
	s8 =	ssub.s32 s8, s10;
	s10 =	simm.s32 $0x40;
	v1 =	vmov s13;
	v2 =	vmov s14  }
0xd: {  	s13 =	simm.s32 $0x8D0;
	s8 =	smax.u32 s8, $0x1;
	s14 =	simm.s32 $0x1;
	vm1 =	veq.s32 v1, v0;
	vm0 =	veq.s32 v2, v0  }
.LBB2_7:
0xe: {  	[hbm4b:s19+s2] =	stream.linear.scatter [tilespmem:s13], [sflag:$0x4], $0x810, $0x38;
	[tilespmem:$0x10E0] =	vst v63  }
0xf: {  	s18 =	sadd.s32 $0x1, s18  }
0x10: {  	_ =	swait.ge [sflag:s16], $0x810;
	p0 =	sne.s32 s18, s8  }
.Ltmp1:
0x11: {  	[sflag:s16] =	ssyncset.done $0x0;
	(pc) =	sbr.rel @!p0 .LBB2_8-.Ltmp1, $4  }
0x12: {  	[sflag:s16] =	ssyncadd.s32 $0xFFFFF7F0  }
0x13: {  	_ =	swait.ge [sflag:s17], $0x810  }
0x14: {  	[sflag:s17] =	ssyncset.done $0x0  }
0x15: {  	[sflag:s17] =	ssyncadd.s32 $0xFFFFF7F0  }
.LBB2_1:
0x16: {  	[tilespmem:s2], [sflag:$0x5] =	stream.linear.gather [hbm4b:s4+s2], $0x40, $0x38;
	[tilespmem:$0x10E0] =	vst v63  }
0x17: {  	_ =	swait.ge [sflag:s9], $0x40  }
0x18: {  	[sflag:s9] =	ssyncset.done $0x0  }
0x19: {  	[sflag:s9] =	ssyncadd.s32 $0xFFFFFFC0  }
0x1a: {  	[tilespmem:s10], [sflag:$0x5] =	stream.linear.gather [hbm4b:s1+s2], $0x40, $0x38;
	[tilespmem:$0x10E0] =	vst v63  }
0x1b: {  	_ =	swait.ge [sflag:s9], $0x40  }
0x1c: {  	[sflag:s9] =	ssyncset.done $0x0  }
0x1d: {  	[sflag:s9] =	ssyncadd.s32 $0xFFFFFFC0  }
0x1e: {  	[tilespmem:s11], [sflag:$0x5] =	stream.linear.gather [hbm4b:s5+s2], $0x40, $0x38;
	[tilespmem:$0x10E0] =	vst v63  }
0x1f: {  	_ =	swait.ge [sflag:s9], $0x40  }
0x20: {  	[sflag:s9] =	ssyncset.done $0x0  }
0x21: {  	[sflag:s9] =	ssyncadd.s32 $0xFFFFFFC0  }
0x22: {  	v1 =	vld [tilespmem:s7+$0x0];
	_ =	sdelay $0x4  }
0x23: {  	v1 =	vxor.u32 $0x80000000, v1  }
0x24: {  	v2 =	vnsel vm1, $0x80000000, v1  }
0x25: {  	v1 =	vnsel vm0, $0x80000000, v1;
	(xrf0) =	vmax.scan.msk.u32 $0xffff, v2  }
0x26: {  	(xrf0) =	vmax.scan.msk.u32 $0xffff, v1;
	_ =	sdelay $0x4  }
0x27: {  	v1, _, _ =	vpop (xrf0)  }
0x28: {  	(v2sf) =	vpush v1, $0xF;
	v1, _, _ =	vpop (xrf0)  }
0x29: {  	(v2sf) =	vpush v1, $0xF;
	_ =	sdelay $0xd  }
0x2a: {  	s22 =	spop (v2sf)  }
0x2b: {  	s19 =	sxor.u32 $0x80000000, s22;
	s20 =	spop (v2sf)  }
0x2c: {  	s19 =	sshrl.u32 s19, $0x3;
	s23 =	sxor.u32 $0x80000000, s20  }
0x2d: {  	s21 =	sadd.s32 s6, s19;
	s28 =	sshrl.u32 s23, $0x3  }
0x2e: {  	[tilespmem:s12], [sflag:$0x1] =	stream.linear.gather [hbm4b:s21+s2], $0x810, $0x38;
	[tilespmem:$0x10E0] =	vst v63  }
0x2f: {  	s19 =	sadd.s32 s6, s28  }
0x30: {  	[tilespmem:s13], [sflag:$0x2] =	stream.linear.gather [hbm4b:s19+s2], $0x810, $0x38;
	[tilespmem:$0x10E0] =	vst v63  }
0x31: {  	v1 =	vld [tilespmem:s7+$0x40];
	_ =	sdelay $0x2  }
0x32: {  	v2 =	vld [tilespmem:s7+$0x80];
	_ =	sdelay $0x1  }
0x33: {  	v1 =	vxor.u32 $0x80000000, v1  }
0x34: {  	v1 =	vnsel vm1, $0x80000000, v1  }
0x35: {  	(xrf0) =	vmax.scan.msk.u32 $0xffff, v1  }
0x36: {  	v1 =	vxor.u32 $0x80000000, v2  }
0x37: {  	v1 =	vnsel vm1, $0x80000000, v1  }
0x38: {  	(xrf0) =	vmax.scan.msk.u32 $0xffff, v1;
	_ =	sdelay $0x2  }
0x39: {  	v1, _, _ =	vpop (xrf0)  }
0x3a: {  	(v2sf) =	vpush v1, $0xF;
	_ =	sdelay $0x1  }
0x3b: {  	v1, _, _ =	vpop (xrf0)  }
0x3c: {  	(v2sf) =	vpush v1, $0xF;
	_ =	sdelay $0xb  }
0x3d: {  	s29 =	spop (v2sf)  }
0x3e: {  	s24 =	sxor.u32 $0x80000000, s29;
	p1 =	sgt.s32 s29, $0xFFFFFFFF;
	s23 =	sand.u32 $0xF, s29  }
0x3f: {  	s29 =	simm.s32 $0x1;
	s25 =	sshra.s32 s24, $0x1F;
	p0 =	slt.s32 s24, $0x1  }
0x40: {  	p5 =	sne.s32 s23, $0x0;
	s26 =	sshrl.u32 s25, $0x1C;
	s25 =	spop (v2sf)  }
0x41: {  	p0 =	por p1, p0;
	s26 =	sadd.s32 s26, s24;
	s28 =	sadd.s32 $0x8000000F, s25  }
0x42: {  	p0 =	por !p5, !p0;
	s30 =	sand.u32 $0xF, s28;
	p6 =	slt.s32 s28, $0x1  }
0x43: {  	s23 =	sshra.s32 s26, $0x4;
	s31 =	sshra.s32 s28, $0x1F;
	p2 =	sne.s32 s30, $0x0  }
0x44: {  	p0 =	por !p0, !p0;
	s26 =	sshrl.u32 s31, $0x1C;
	p1 =	por !p6, !p2  }
0x45: {  	s26 =	sadd.s32 s26, s28;
	s28 =	simm.s32 $0x1;
	p1 =	por !p1, !p1  }
0x46: {  	s29 =	simm.s32 @!p0 $0x0;
	s30 =	sshra.s32 s26, $0x4;
	s28 =	simm.s32 @!p1 $0x0  }
0x47: {  	s26 =	ssub.s32 s23, s29;
	s23 =	ssub.s32 s30, s28  }
0x48: {  	p0 =	sge.s32 s26, s23  }
.Ltmp2:
0x49: {  	_ = 	snop;
	(pc) =	sbr.rel @p0 .LBB2_4-.Ltmp2, $4  }
0x4a: {  	_ = 	snop  }
0x4b: {  	_ =	swait.ge [sflag:s14], $0x810  }
0x4c: {  	[sflag:s14] =	ssyncset.done $0x0  }
0x4d: {  	[sflag:s14] =	ssyncadd.s32 $0xFFFFF7F0  }
0x4e: {  	s28 =	sshll.u32 s26, $0x6;
	s22 =	sshll.u32 s22, $0x2  }
0x4f: {  	s22 =	ssub.s32 s28, s22  }
0x50: {  	s22 =	sshra.s32 s22, $0x2  }
0x51: {  	s31 =	sadd.s32 $0xC0, s22  }
0x52: {  	v1 =	vmov s24;
	s24 =	sadd.s32 $0x1, s26;
	v3 =	vld [tilespmem:s31+$0x0]  }
0x53: {  	s25 =	sxor.u32 $0x80000000, s25;
	p0 =	slt.s32 s24, s23;
	s22 =	sshll.u32 s26, $0x4  }
.Ltmp3:
0x54: {  	v2 =	vmov s25;
	v4 =	vor.u32 s22, v0;
	(pc) =	sbr.rel @!p0 .LBB2_4-.Ltmp3, $4  }
0x55: {  	vm2 =	vge.s32 v4, v1;
	vm3 =	vlt.s32 v4, v2  }
0x56: {  	vm2 =	vmand vm2, vm3  }
0x57: {  	v3 =	vsel vm2, $0x0, v3  }
0x58: {  	s25 =	sadd.s32 $0x10, s31;
	[tilespmem:s31+$0x0] =	vst v3  }
.LBB2_3:
0x59: {  	v3 =	vld [tilespmem:s25+$0x0];
	s24 =	sadd.s32 $0x1, s24  }
0x5a: {  	s22 =	sadd.s32 $0x10, s22;
	p0 =	slt.s32 s24, s23  }
.Ltmp4:
0x5b: {  	v4 =	vor.u32 s22, v0;
	(pc) =	sbr.rel @p0 .LBB2_3-.Ltmp4, $4  }
0x5c: {  	vm2 =	vge.s32 v4, v1;
	vm3 =	vlt.s32 v4, v2  }
0x5d: {  	vm2 =	vmand vm2, vm3  }
0x5e: {  	v3 =	vsel vm2, $0x0, v3  }
0x5f: {  	[tilespmem:s25+$0x0] =	vst v3;
	s25 =	sadd.s32 $0x10, s25  }
.LBB2_4:
0x60: {  	[hbm4b:s21+s2] =	stream.linear.scatter [tilespmem:s12], [sflag:$0x3], $0x810, $0x38;
	[tilespmem:$0x10E0] =	vst v63  }
0x61: {  	v1 =	vld [tilespmem:s7+$0x40];
	_ =	sdelay $0x2  }
0x62: {  	v2 =	vld [tilespmem:s7+$0x80];
	_ =	sdelay $0x1  }
0x63: {  	v1 =	vxor.u32 $0x80000000, v1  }
0x64: {  	v1 =	vnsel vm0, $0x80000000, v1  }
0x65: {  	(xrf0) =	vmax.scan.msk.u32 $0xffff, v1  }
0x66: {  	v1 =	vxor.u32 $0x80000000, v2  }
0x67: {  	v1 =	vnsel vm0, $0x80000000, v1  }
0x68: {  	(xrf0) =	vmax.scan.msk.u32 $0xffff, v1;
	_ =	sdelay $0x2  }
0x69: {  	v1, _, _ =	vpop (xrf0)  }
0x6a: {  	(v2sf) =	vpush v1, $0xF;
	_ =	sdelay $0x1  }
0x6b: {  	v1, _, _ =	vpop (xrf0)  }
0x6c: {  	(v2sf) =	vpush v1, $0xF;
	_ =	sdelay $0xb  }
0x6d: {  	s28 =	spop (v2sf)  }
0x6e: {  	s26 =	simm.s32 $0x1;
	s22 =	sxor.u32 $0x80000000, s28;
	p1 =	sgt.s32 s28, $0xFFFFFFFF  }
0x6f: {  	s21 =	sand.u32 $0xF, s28;
	s23 =	sshra.s32 s22, $0x1F;
	p0 =	slt.s32 s22, $0x1  }
0x70: {  	p5 =	sne.s32 s21, $0x0;
	s24 =	sshrl.u32 s23, $0x1C;
	s23 =	spop (v2sf)  }
0x71: {  	p0 =	por p1, p0;
	s24 =	sadd.s32 s24, s22;
	s25 =	sadd.s32 $0x8000000F, s23  }
0x72: {  	p0 =	por !p5, !p0;
	s29 =	sand.u32 $0xF, s25;
	p6 =	slt.s32 s25, $0x1  }
0x73: {  	s30 =	sshra.s32 s24, $0x4;
	s31 =	sshra.s32 s25, $0x1F;
	p2 =	sne.s32 s29, $0x0  }
0x74: {  	p0 =	por !p0, !p0;
	s24 =	sshrl.u32 s31, $0x1C;
	p1 =	por !p6, !p2  }
0x75: {  	s24 =	sadd.s32 s24, s25;
	s25 =	simm.s32 $0x1;
	p1 =	por !p1, !p1  }
0x76: {  	s26 =	simm.s32 @!p0 $0x0;
	s28 =	sshra.s32 s24, $0x4;
	s25 =	simm.s32 @!p1 $0x0  }
0x77: {  	s24 =	ssub.s32 s30, s26;
	s21 =	ssub.s32 s28, s25  }
0x78: {  	p0 =	sge.s32 s24, s21  }
.Ltmp5:
0x79: {  	_ = 	snop;
	(pc) =	sbr.rel @p0 .LBB2_7-.Ltmp5, $4  }
0x7a: {  	_ = 	snop  }
0x7b: {  	_ =	swait.ge [sflag:s15], $0x810  }
0x7c: {  	[sflag:s15] =	ssyncset.done $0x0  }
0x7d: {  	[sflag:s15] =	ssyncadd.s32 $0xFFFFF7F0  }
0x7e: {  	s25 =	sshll.u32 s24, $0x6;
	s20 =	sshll.u32 s20, $0x2  }
0x7f: {  	s20 =	ssub.s32 s25, s20  }
0x80: {  	s20 =	sshra.s32 s20, $0x2  }
0x81: {  	s31 =	sadd.s32 $0x8D0, s20  }
0x82: {  	v1 =	vmov s22;
	s22 =	sadd.s32 $0x1, s24;
	v3 =	vld [tilespmem:s31+$0x0]  }
0x83: {  	s23 =	sxor.u32 $0x80000000, s23;
	p0 =	slt.s32 s22, s21;
	s20 =	sshll.u32 s24, $0x4  }
.Ltmp6:
0x84: {  	v2 =	vmov s23;
	v4 =	vor.u32 s20, v0;
	(pc) =	sbr.rel @!p0 .LBB2_7-.Ltmp6, $4  }
0x85: {  	vm2 =	vge.s32 v4, v1;
	vm3 =	vlt.s32 v4, v2  }
0x86: {  	vm2 =	vmand vm2, vm3  }
0x87: {  	v3 =	vsel vm2, $0x0, v3  }
0x88: {  	s23 =	sadd.s32 $0x10, s31;
	[tilespmem:s31+$0x0] =	vst v3  }
.LBB2_6:
0x89: {  	v3 =	vld [tilespmem:s23+$0x0];
	s22 =	sadd.s32 $0x1, s22  }
0x8a: {  	s20 =	sadd.s32 $0x10, s20;
	p0 =	slt.s32 s22, s21  }
.Ltmp7:
0x8b: {  	v4 =	vor.u32 s20, v0;
	(pc) =	sbr.rel @p0 .LBB2_6-.Ltmp7, $4  }
0x8c: {  	vm2 =	vge.s32 v4, v1;
	vm3 =	vlt.s32 v4, v2  }
0x8d: {  	vm2 =	vmand vm2, vm3  }
0x8e: {  	v3 =	vsel vm2, $0x0, v3  }
0x8f: {  	[tilespmem:s23+$0x0] =	vst v3;
	s23 =	sadd.s32 $0x10, s23  }
.Ltmp8:
0x90: {  	_ = 	snop;
	(pc) =	sbr.rel .LBB2_7-.Ltmp8, $1  }
0x91: {  	_ =	sdelay $0x3  }
.LBB2_8:
0x92: {  	_ =	sfence.sel $0x180000  }
0x93: {  	[bflag:$0x0] =	sbarrier.arrive $0xFFFF  }
0x94: {  	p0 =	sne.s32 s3, $0x0;
	_ =	strace $0x9000004A  }
0x95: {  	s0 =	sadd.s32 @!p0 $0x100000, s0;
	[bflag:$0x2] =	sbarrier.arrive $0xFFFF  }
0x96: {  	[sflag:s0] =	ssyncadd.tile.s32 @!p0 $0x1;
	_ =	shalt  }
.Lfunc_end2:
_tile_overlayer_lowered:
.L_overlay_start_2:
0x97: {  	(tag) =	ssettag $0x2  }
0x98: {  	s0 =	rddreg [dreg:$0x0];
	s2 =	stileid.u32  }
0x99: {  	s1 =	rddreg [dreg:$0x1];
	p0 =	sne.s32 s2, $0x0  }
0x9a: {  	s3 =	rddreg [dreg:$0x2];
	[bflag:$0x3] =	sbarrier.arrive $0xFFFF;
	s2 =	simm.s32 @!p0 $0x1C05  }
0x9b: {  	[timem:s3], [sflag:s2] =	dma.local @!p0 [hbm:s0], s1  }
0x9c: {  	s0 =	simm.s32 @!p0 $0x5  }
0x9d: {  	_ =	swait.ge @!p0 [sflag:s0], s1  }
0x9e: {  	s1 =	ssub.s32 @!p0 $0x0, s1;
	[sflag:s0] =	ssyncset.done @!p0 $0x0  }
0x9f: {  	[sflag:s0] =	ssyncadd.s32 @!p0 s1  }
0xa0: {  	[bflag:$0x3] =	sbarrier.arrive $0xFFFF  }
0xa1: {  	_ =	shalt  }

// kernel: sparse-core-data-format-call.cloned.1.call-start
scs
called_computation_lowered:
.L_overlay_start_0:
0x0: {  	s2 =	sld [smem:$0x3FD9]  }
0x1: {  	s3 =	sld [smem:$0x3FFE];
	_ =	sdelay $0x1  }
0x2: {  	s1 =	srdreg.scid  }
0x3: {  	s0 =	sand.u32 $0x1, s1  }
0x4: {  	s18 =	sshll.u32 s0, $0xA;
	s2 =	sadd.s32 s3, s2  }
0x5: {  	s2 =	sadd.s32 s2, s18  }
0x6: {  	[smem:$0x3FC7] =	sst s2  }
0x7: {  	_ = 	snop  }
0x8: {  	s2 =	sld [smem:$0x3FC9];
	(tm) =	ssettm $0x1  }
0x9: {  	s19 =	sld [smem:$0x3FFB];
	_ =	sdelay $0x3  }
0xa: {  	_ =	strace s19  }
0xb: {  	s3 =	sld [smem:$0x3FFC];
	_ =	sdelay $0x3  }
0xc: {  	_ =	strace s3  }
0xd: {  	s3 =	sld [smem:$0x3FFD];
	_ =	sdelay $0x3  }
0xe: {  	_ =	strace s3  }
0xf: {  	_ =	strace $0x8FFFFFFF  }
0x10: {  	s20 =	sld [smem:$0x3FDB];
	_ =	sdelay $0x1  }
0x11: {  	s4 =	simm.s32 $_scs_section_size  }
0x12: {  	s5 =	simm.s32 $_size__tile_overlayer_lowered;
	s6 =	simm.s32 $_tile_overlayer_lowered  }
0x13: {  	s23 =	simm.s32 $0x1BFF;
	s22 =	sshll.u32 s6, $0x1;
	s3 =	sadd.s32 s4, s20  }
0x14: {  	s7 =	simm.s32 $0x0;
	s21 =	sshll.u32 s5, $0x1;
	s5 =	sadd.s32 s22, s3  }
0x15: {  	[timem:s7], [sflag:s23] =	dma.local [hbm:s5], s21  }
0x16: {  	_ =	swait.ge [sflag:s23], s21  }
0x17: {  	s4 =	ssub.s32 $0x0, s21;
	[sflag:s23] =	ssyncset.done $0x0  }
0x18: {  	[sflag:s23] =	ssyncadd.s32 s4;
	_ =	sdelay $0x1  }
0x19: {  	s24 =	simm.s32 $0x1B8B  }
0x1a: {  	_ =	swait.ge [sflag:s24], $0x1  }
0x1b: {  	[sflag:s24] =	ssyncset.done $0x0  }
0x1c: {  	s26 =	simm.s32 $0x1B8E;
	s25 =	sld [smem:$0x3FFE];
	[sflag:s24] =	ssyncadd.s32 $0xFFFFFFFF  }
0x1d: {  	s27 =	simm.s32 $execute0_lowered;
	[smem:$0x3FD2] =	sst s26  }
0x1e: {  	s5 =	sshll.u32 s27, $0x1;
	_ =	strace $0x80000046;
	[dreg:$0x1] =	wrdreg $0xFFFFFFFF  }
0x1f: {  	s28 =	simm.s32 $_size_execute0_lowered;
	s3 =	sadd.s32 s3, s5;
	[dreg:$0x0] =	wrdreg $0x0  }
0x20: {  	s5 =	sshll.u32 s28, $0x1;
	[dreg:$0x2] =	wrdreg s3  }
0x21: {  	[dreg:$0x3] =	wrdreg s5  }
0x22: {  	[dreg:$0x4] =	wrdreg $0xC0  }
0x23: {  	_ =	task [dreg:s7], $0x5FFFF  }
0x24: {  	[dreg:$0x1] =	wrdreg $0xFFFFFFFF  }
0x25: {  	[dreg:$0x0] =	wrdreg $0x60  }
0x26: {  	[dreg:$0x2] =	wrdreg s2  }
0x27: {  	[dreg:$0x3] =	wrdreg s25  }
0x28: {  	[dreg:$0x4] =	wrdreg $0x9  }
0x29: {  	_ =	task.clear_ibuf [dreg:s7], $0x5FFFF;
	_ =	strace $0x90000046  }
0x2a: {  	s29 =	simm.s32 $0x9;
	_ =	strace $0x80000048  }
0x2b: {  	_ =	swait.ge [sflag:s29], $0x1  }
0x2c: {  	[sflag:s29] =	ssyncadd.s32 $0xFFFFFFFF  }
0x2d: {  	_ =	strace $0x90000048  }
0x2e: {  	_ =	sfence  }
0x2f: {  	s30 =	sld [smem:$0x0];
	_ =	sdelay $0x2  }
0x30: {  	s31 =	sshll.u32 s1, $0xD;
	s1 =	sshrl.u32 s1, $0x2  }
0x31: {  	s3 =	sand.u32 $0x4000, s31;
	s1 =	sadd.s32 s1, s30  }
0x32: {  	s0 =	sor.u32 s3, s0;
	s1 =	sshll.u32 s1, $0x11  }
0x33: {  	s0 =	sor.u32 s1, s0  }
0x34: {  	s0 =	sadd.s32 $0x8F2B, s0  }
0x35: {  	[sflag:s0] =	ssyncadd.remote.s32 $0x1  }
0x36: {  	_ =	sfence.sel $0xFFFF  }
0x37: {  	[dreg:$0x0] =	wrdreg $0xFFFFFFFF;
	(pc) =	sbr.abs _section_cstart, $3  }
0x38: {  	[dreg:$0x1] =	wrdreg $0xFFFFFFFF  }
0x39: {  	_ =	task.clear_ibuf [dreg:s7], $0x2FFFF;
	_ =	strace $0x9FFFFFFF  }
0x3a: {  	(tm) =	ssettm $0x7FFFFFFF  }
0x3b: {  	_ =	shalt  }
tec
execute0_lowered:
.L_overlay_start_1:
0x0: {  	(tag) =	ssettag $0x1  }
0x1: {  	s0 =	stileid.u32  }
0x2: {  	s1 =	srdreg.scid;
	s2 =	rddreg [dreg:$0x0]  }
0x3: {  	s4 =	rddreg [dreg:$0x1];
	s7 =	simm.s32 $0x1;
	s8 =	simm.s32 $0x2  }
0x4: {  	s15 =	simm.s32 $0x0;
	s3 =	sshll.u32 s0, $0x1;
	s1 =	sshll.u32 s1, $0x5  }
0x5: {  	s9 =	simm.s32 $0x800;
	s10 =	simm.s32 $0x40000;
	s1 =	sor.u32 s3, s1  }
0x6: {  	s11 =	simm.s32 $0x0;
	s16 =	simm.s32 $0x0;
	s3 =	sand.u32 $0x30, s1  }
0x7: {  	s14 =	simm.s32 $0x0;
	s4 =	sadd.s32 $0x1600, s4;
	s6 =	ssub.s32 $0x800, s3  }
.Ltmp0:
0x8: {  	s1 =	rddreg [dreg:$0x2];
	s5 =	sand.u32 $0x30, s6;
	(pc) =	sbr.rel .LBB1_1-.Ltmp0, $4  }
0x9: {  	_ =	strace $0x80000047;
	s12 =	smov.u32 s3;
	p0 =	sne.s32 s5, $0x0  }
0xa: {  	s6 =	sshrl.u32 s6, $0x6;
	s5 =	simm.s32 $0x1;
	s7 =	simm.s32 @!p0 $0x0  }
0xb: {  	[sflag:s5] =	ssyncpa.u1 $0x0;
	s6 =	sadd.s32 s7, s6;
	s7 =	sand.u32 $0x7, s0  }
0xc: {  	[sflag:s8] =	ssyncpa.u1 $0x0;
	s8 =	sadd.s32 $0x1, s6;
	s13 =	smov.u32 s7  }
.LBB1_7:
0xd: {  	s17 =	sadd.s32 $0x40, s12  }
0xe: {  	s15 =	sadd.s32 $0x8, s13;
	s19 =	smov.u32 s13;
	p1 =	sgt.s32 s17, $0x7FF  }
0xf: {  	s19 =	smov.u32 @p1 s15  }
0x10: {  	s17 =	smov.u32 @p1 s3;
	p1 =	sgt.s32 s19, $0x7  }
0x11: {  	s19 =	smov.u32 @p1 s7;
	p1 =	sne.s32 s14, s8  }
.Ltmp1:
0x12: {  	p0 =	slt.u32 s14, $0x2;
	(pc) =	sbr.rel @!p1 .LBB1_8-.Ltmp1, $4  }
0x13: {  	s18 =	simm.s32 @!p0 $0x2  }
0x14: {  	s16 =	smov.u32 s13;
	s11 =	sadd.s32 $0x4000, s11;
	_ =	swait.ge @!p0 [sflag:s18], $0x4000  }
0x15: {  	s15 =	smov.u32 s12;
	[sflag:s18] =	ssyncset.done @!p0 $0x0;
	s12 =	smov.u32 s17  }
0x16: {  	s14 =	sadd.s32 $0x1, s14;
	[sflag:s18] =	ssyncadd.s32 @!p0 $0xFFFFC000;
	s13 =	smov.u32 s19  }
.LBB1_1:
0x17: {  	p0 =	sge.u32 s14, s6  }
0x18: {  	s31 =	sadd.s32 $0xFFFFFFFF, s14;
	s17 =	sxor.u32 @!p0 $0xFFFFFFFF, s14;
	s18 =	sshll.u32 @!p0 s13, $0x12  }
0x19: {  	s19 =	sshll.u32 @!p0 s12, $0x7;
	s17 =	sshll.u32 @!p0 s17, $0xE;
	s18 =	sadd.s32 @!p0 s2, s18  }
0x1a: {  	s17 =	sand.u32 @!p0 $0x4000, s17;
	s18 =	sadd.s32 @!p0 s19, s18;
	s19 =	simm.s32 @!p0 $0x0  }
0x1b: {  	[tilespmem:s17], [sflag:$0x1] =	stream.linear.gather @!p0 [hbm4b:s18+s19], $0x4000, $0x38;
	[tilespmem:$0x10000] =	vst v63  }
0x1c: {  	p0 =	sge.u32 s31, s6  }
.Ltmp2:
0x1d: {  	_ = 	snop;
	(pc) =	sbr.rel @p0 .LBB1_7-.Ltmp2, $1  }
0x1e: {  	_ =	sdelay $0x3  }
0x1f: {  	s18 =	sand.u32 $0x4000, s11  }
0x20: {  	_ =	swait.ge [sflag:s5], $0x4000;
	s20 =	sshll.u32 s14, $0xE;
	s17 =	sor.u32 $0x8040, s18  }
0x21: {  	s19 =	sor.u32 $0x40, s18;
	[sflag:s5] =	ssyncset.done $0x0;
	s31 =	sand.u32 $0x4000, s20  }
0x22: {  	s20 =	simm.s32 $0x0;
	[sflag:s5] =	ssyncadd.s32 $0xFFFFC000;
	s18 =	sor.u32 $0x8000, s31  }
.LBB1_3:
0x23: {  	v0 =	vmov s19;
	_ =	sdelay $0x3  }
0x24: {  	s22 =	simm.s32 $0x0  }
0x25: {  	v6 =	vld.idx.msk [tilespmem:v0+s22+$0x30 ss:$0x1], $0xffff  }
0x26: {  	v7 =	vld.idx.msk [tilespmem:v0+s22+$0xFFFFFFC0 ss:$0x1], $0xffff  }
0x27: {  	v5 =	vld.idx.msk [tilespmem:v0+s22+$0xFFFFFFD0 ss:$0x1], $0xffff  }
0x28: {  	v4 =	vld.idx.msk [tilespmem:v0+s22+$0xFFFFFFE0 ss:$0x1], $0xffff  }
0x29: {  	v3 =	vld.idx.msk [tilespmem:v0+s22+$0xFFFFFFF0 ss:$0x1], $0xffff  }
0x2a: {  	v1 =	vld.idx.msk [tilespmem:v0+s22+$0x0 ss:$0x1], $0xffff  }
0x2b: {  	v2 =	vld.idx.msk [tilespmem:v0+s22+$0x10 ss:$0x1], $0xffff;
	[tilespmem:s17+$0x30] =	vst v6  }
0x2c: {  	s21 =	simm.s32 $0x80;
	s23 =	simm.s32 $0x400;
	[tilespmem:s17+$0xFFFFFFC0] =	vst v7;
	v6 =	vld.idx.msk [tilespmem:v0+s22+$0x20 ss:$0x1], $0xffff;
	s22 =	smov.u32 s17  }
.LBB1_4:
0x2d: {  	p0 =	sne.s32 s23, $0xE00;
	v7 =	vld.idx.msk [tilespmem:v0+s21+$0x30 ss:$0x1], $0xffff;
	[tilespmem:s22+$0xFFFFFFD0] =	vst v5  }
0x2e: {  	v8 =	vld.idx.msk [tilespmem:v0+s21+$0xFFFFFFC0 ss:$0x1], $0xffff;
	[tilespmem:s22+$0xFFFFFFE0] =	vst v4  }
0x2f: {  	v5 =	vld.idx.msk [tilespmem:v0+s21+$0xFFFFFFD0 ss:$0x1], $0xffff;
	[tilespmem:s22+$0xFFFFFFF0] =	vst v3  }
.Ltmp3:
0x30: {  	v4 =	vld.idx.msk [tilespmem:v0+s21+$0xFFFFFFE0 ss:$0x1], $0xffff;
	[tilespmem:s22+$0x0] =	vst v1;
	(pc) =	sbr.rel @p0 .LBB1_4-.Ltmp3, $4  }
0x31: {  	v3 =	vld.idx.msk [tilespmem:v0+s21+$0xFFFFFFF0 ss:$0x1], $0xffff;
	[tilespmem:s22+$0x10] =	vst v2  }
0x32: {  	v1 =	vld.idx.msk [tilespmem:v0+s21+$0x0 ss:$0x1], $0xffff;
	[tilespmem:s22+$0x20] =	vst v6;
	s22 =	sadd.s32 $0x800, s22  }
0x33: {  	v2 =	vld.idx.msk [tilespmem:v0+s21+$0x10 ss:$0x1], $0xffff;
	[tilespmem:s22+$0x30] =	vst v7  }
0x34: {  	[tilespmem:s22+$0xFFFFFFC0] =	vst v8;
	v6 =	vld.idx.msk [tilespmem:v0+s21+$0x20 ss:$0x1], $0xffff;
	s21 =	sshra.s32 s23, $0x2;
	s23 =	sadd.s32 $0x200, s23  }
0x35: {  	_ =	sdelay $0x2  }
0x36: {  	[tilespmem:s22+$0xFFFFFFD0] =	vst v5  }
0x37: {  	v56 =	vld.idx.msk [tilespmem:v0+s21+$0x30 ss:$0x1], $0xffff;
	[tilespmem:s22+$0xFFFFFFE0] =	vst v4  }
0x38: {  	v57 =	vld.idx.msk [tilespmem:v0+s21+$0xFFFFFFC0 ss:$0x1], $0xffff;
	[tilespmem:s22+$0xFFFFFFF0] =	vst v3  }
0x39: {  	v58 =	vld.idx.msk [tilespmem:v0+s21+$0xFFFFFFD0 ss:$0x1], $0xffff;
	[tilespmem:s22+$0x0] =	vst v1  }
0x3a: {  	v59 =	vld.idx.msk [tilespmem:v0+s21+$0xFFFFFFE0 ss:$0x1], $0xffff;
	[tilespmem:s22+$0x10] =	vst v2  }
0x3b: {  	v60 =	vld.idx.msk [tilespmem:v0+s21+$0xFFFFFFF0 ss:$0x1], $0xffff;
	s31 =	sadd.s32 $0x800, s22;
	[tilespmem:s22+$0x20] =	vst v6  }
0x3c: {  	v61 =	vld.idx.msk [tilespmem:v0+s21+$0x0 ss:$0x1], $0xffff;
	[tilespmem:s31+$0x30] =	vst v56  }
0x3d: {  	v62 =	vld.idx.msk [tilespmem:v0+s21+$0x10 ss:$0x1], $0xffff;
	s20 =	sadd.s32 $0x1, s20;
	[tilespmem:s31+$0xFFFFFFC0] =	vst v57  }
0x3e: {  	v63 =	vld.idx.msk [tilespmem:v0+s21+$0x20 ss:$0x1], $0xffff;
	p0 =	sne.s32 s20, $0x10;
	[tilespmem:s31+$0xFFFFFFD0] =	vst v58  }
.Ltmp4:
0x3f: {  	[tilespmem:s31+$0xFFFFFFE0] =	vst v59;
	(pc) =	sbr.rel @p0 .LBB1_3-.Ltmp4, $4  }
0x40: {  	[tilespmem:s31+$0xFFFFFFF0] =	vst v60  }
0x41: {  	[tilespmem:s31+$0x0] =	vst v61  }
0x42: {  	[tilespmem:s31+$0x10] =	vst v62  }
0x43: {  	s17 =	sadd.s32 $0x80, s17;
	s19 =	sadd.s32 $0x400, s19;
	[tilespmem:s31+$0x20] =	vst v63  }
.Ltmp5:
0x44: {  	(pc) =	sbr.rel .LBB1_7-.Ltmp5, $4  }
0x45: {  	s16 =	sshll.u32 s16, $0x12;
	s15 =	sshll.u32 s15, $0x4  }
0x46: {  	s15 =	sand.u32 $0x7FF0, s15;
	s16 =	sadd.s32 s4, s16  }
0x47: {  	s15 =	sadd.s32 s15, s16  }
0x48: {  	[hbm4b:s15+s9] =	stream.strided.scatter [tilespmem:s18], [sflag:$0x2], $0x4000, s10, s9, $0x38;
	[tilespmem:$0x10000] =	vst v63  }
.LBB1_8:
0x49: {  	_ =	sfence.sel $0x180000  }
0x4a: {  	s2 =	simm.s32 $0x1;
	[bflag:$0x0] =	sbarrier.arrive $0xFFFF  }
0x4b: {  	s31 =	simm.s32 $0x2;
	[sflag:s2] =	ssyncpa.u1 $0x1  }
0x4c: {  	[sflag:s31] =	ssyncpa.u1 $0x1  }
0x4d: {  	p0 =	sne.s32 s0, $0x0;
	_ =	strace $0x90000047  }
0x4e: {  	s0 =	sadd.s32 @!p0 $0x100000, s1;
	[bflag:$0x2] =	sbarrier.arrive $0xFFFF  }
0x4f: {  	[sflag:s0] =	ssyncadd.tile.s32 @!p0 $0x1;
	_ =	shalt  }
.Lfunc_end1:
_tile_overlayer_lowered:
.L_overlay_start_2:
0x50: {  	(tag) =	ssettag $0x2  }
0x51: {  	s0 =	rddreg [dreg:$0x0];
	s2 =	stileid.u32  }
0x52: {  	s1 =	rddreg [dreg:$0x1];
	p0 =	sne.s32 s2, $0x0  }
0x53: {  	s3 =	rddreg [dreg:$0x2];
	[bflag:$0x3] =	sbarrier.arrive $0xFFFF;
	s2 =	simm.s32 @!p0 $0x1C01  }
0x54: {  	[timem:s3], [sflag:s2] =	dma.local @!p0 [hbm:s0], s1  }
0x55: {  	s0 =	simm.s32 @!p0 $0x1  }
0x56: {  	_ =	swait.ge @!p0 [sflag:s0], s1  }
0x57: {  	s1 =	ssub.s32 @!p0 $0x0, s1;
	[sflag:s0] =	ssyncset.done @!p0 $0x0  }
0x58: {  	[sflag:s0] =	ssyncadd.s32 @!p0 s1  }
0x59: {  	[bflag:$0x3] =	sbarrier.arrive $0xFFFF  }
0x5a: {  	_ =	shalt  }

</sc_bundles>
